<compile_context>
chip_gen: v7x
topology: tpu7x:2x2x1
jax: 0.10.2.dev20260603
libtpu: 0.0.44.dev20260713+nightly
codegen_flags: <defaults>
</compile_context>

<pallas_src>
import functools

import jax
import jax.numpy as jnp
from jax import lax
from jax.experimental import pallas as pl
from jax.experimental.pallas import tpu as pltpu
from jax.experimental.pallas import tpu_sc as plsc

B, L = 4096, 200
VOCAB, D = 1000000, 64
EPS = 1e-5

_NC, _NS = 2, 16
_NW = _NC * _NS
_RPW = B // _NW
_IPW = _RPW * L
_NBUF = 4


def _sc_pool_body(idx_hbm, table_hbm, out_hbm, idx_v, rows_v, pooled_v,
                  sem0, sem1, sem2, sem3):
    wid = lax.axis_index("s") * _NC + lax.axis_index("c")
    rbase = wid * _RPW

    pltpu.sync_copy(idx_hbm.at[pl.ds(rbase, _RPW)], idx_v)

    sems = [sem0, sem1, sem2, sem3]

    def start_row(r, buf):
        pltpu.async_copy(
            table_hbm.at[idx_v.at[r, pl.ds(0, 128)]],
            rows_v.at[buf].at[pl.ds(0, 128)],
            sems[buf],
        )
        pltpu.async_copy(
            table_hbm.at[idx_v.at[r, pl.ds(128, 72)]],
            rows_v.at[buf].at[pl.ds(128, 72)],
            sems[buf],
        )

    def wait_row(buf):
        pltpu.make_async_copy(
            table_hbm.at[idx_v.at[0, pl.ds(0, 128)]],
            rows_v.at[buf].at[pl.ds(0, 128)],
            sems[buf],
        ).wait()
        pltpu.make_async_copy(
            table_hbm.at[idx_v.at[0, pl.ds(128, 72)]],
            rows_v.at[buf].at[pl.ds(128, 72)],
            sems[buf],
        ).wait()

    def accum_row(r, buf):
        def acc_body(l, accs):
            return tuple(
                a + rows_v[buf, l, pl.ds(16 * j, 16)]
                for j, a in enumerate(accs)
            )
        zeros = tuple(jnp.zeros((16,), jnp.float32) for _ in range(4))
        accs = lax.fori_loop(0, L, acc_body, zeros, unroll=4)
        for j in range(4):
            pooled_v[r, pl.ds(16 * j, 16)] = accs[j]

    for b in range(_NBUF - 1):
        start_row(b, b)

    def outer(i, _):
        for b in range(_NBUF):
            r = i * _NBUF + b

            @pl.when(r + _NBUF - 1 < _RPW)
            def _():
                start_row(r + _NBUF - 1, (b + _NBUF - 1) % _NBUF)

            wait_row(b)
            accum_row(r, b)
        return 0

    lax.fori_loop(0, _RPW // _NBUF, outer, 0)

    pltpu.sync_copy(pooled_v, out_hbm.at[pl.ds(wid * _RPW, _RPW)])


_sc_pool = functools.partial(
    pl.kernel,
    out_type=jax.ShapeDtypeStruct((B, D), jnp.float32),
    mesh=plsc.VectorSubcoreMesh(core_axis_name="c", subcore_axis_name="s",
                                num_cores=_NC, num_subcores=_NS),
    scratch_types=[
        pltpu.VMEM((_RPW, L), jnp.int32),
        pltpu.VMEM((_NBUF, L, D), jnp.float32),
        pltpu.VMEM((_RPW, D), jnp.float32),
        pltpu.SemaphoreType.DMA,
        pltpu.SemaphoreType.DMA,
        pltpu.SemaphoreType.DMA,
        pltpu.SemaphoreType.DMA,
    ],
    compiler_params=pltpu.CompilerParams(use_tc_tiling_on_sc=False),
)(_sc_pool_body)


def _tc_body(sum_ref, w_ref, b_ref, gamma_ref, beta_ref, out_ref):
    pooled = sum_ref[...] * (1.0 / L)
    dense = lax.dot_general(pooled, w_ref[...], (((1,), (1,)), ((), ())),
                            preferred_element_type=jnp.float32)
    dense = dense + b_ref[...]
    mean = jnp.mean(dense, axis=0, keepdims=True)
    cent = dense - mean
    var = jnp.mean(cent * cent, axis=0, keepdims=True)
    normalized = cent / jnp.sqrt(var + EPS) * gamma_ref[...] + beta_ref[...]
    norm = jnp.sqrt(jnp.sum(normalized * normalized, axis=1, keepdims=True))
    out_ref[...] = normalized / norm


def kernel(inputs, table, W, b, gamma, beta):
    pooled_sum = _sc_pool(inputs.astype(jnp.int32), table)
    out = pl.pallas_call(
        _tc_body,
        out_shape=jax.ShapeDtypeStruct((B, D), jnp.float32),
    )(pooled_sum, W, b.reshape(1, D), gamma.reshape(1, D),
      beta.reshape(1, D))
    return out

# --- scband reference (transcript-rebuilt; emitter-appended) ---
"""Pipeline reference for scband-triplet-network-738734375329 (READ-ONLY COPY).

The authoritative reference and input builder live on the scoring server;
editing this copy changes nothing except your own understanding.
"""

import jax, jax.numpy as jnp
import numpy as np

B, L = 4096, 200
VOCAB, D = 1000000, 64
EPS = 1e-5

def setup_inputs(seed: int = 0) -> dict:
    key = jax.random.key(seed)
    k1, k2, k3, k4 = jax.random.split(key, 4)
    inputs = jax.random.randint(k1, (B, L), 0, VOCAB, dtype=jnp.int64 if jax.config.jax_enable_x64 else jnp.int32)
    table = jax.random.normal(k2, (VOCAB, D), dtype=jnp.float32)
    W = jax.random.normal(k3, (D, D), dtype=jnp.float32) * (1.0 / np.sqrt(D))
    b = jax.random.uniform(k4, (D,), dtype=jnp.float32, minval=-1.0 / np.sqrt(D), maxval=1.0 / np.sqrt(D))
    gamma = jnp.ones((D,), dtype=jnp.float32)
    beta = jnp.zeros((D,), dtype=jnp.float32)
    return {"inputs": inputs, "table": table, "W": W, "b": b, "gamma": gamma, "beta": beta}

def reference(inputs, table, W, b, gamma, beta):
    # embedding lookup: [B, L] -> [B, L, D]
    emb = jnp.take(table, inputs, axis=0)
    # permute(0,2,1) + AdaptiveAvgPool1d(1) + squeeze == mean over sequence dim
    pooled = jnp.mean(emb, axis=1)  # [B, D]
    # dense
    dense = pooled @ W.T + b  # [B, D]
    # BatchNorm1d in training mode: batch statistics (biased variance)
    mean = jnp.mean(dense, axis=0)
    var = jnp.var(dense, axis=0)
    normalized = (dense - mean) / jnp.sqrt(var + EPS) * gamma + beta
    # L2 normalize rows
    outputs = normalized / jnp.linalg.norm(normalized, axis=1, keepdims=True)
    return outputs

if __name__ == "__main__":
    import jax
    _d = setup_inputs()
    print(jax.jit(kernel)(*tuple(_d.values())))

</pallas_src>

<mosaic_0001>
#map = affine_map<(d0, d1) -> (0, 0)>
module attributes {stable_mosaic.version = 14 : i64} {
  func.func @_sc_pool_body(%arg0: i32, %arg1: i32, %arg2: memref<4096x200xi32, #tpu.memory_space<hbm>>, %arg3: memref<1000000x64xf32, #tpu.memory_space<hbm>>, %arg4: memref<4096x64xf32, #tpu.memory_space<hbm>>, %arg5: memref<128x200xi32, #tpu.memory_space<vmem>>, %arg6: memref<4x200x64xf32, #tpu.memory_space<vmem>>, %arg7: memref<128x64xf32, #tpu.memory_space<vmem>>, %arg8: memref<!tpu.dma_semaphore, #tpu.memory_space<semaphore_mem>>, %arg9: memref<!tpu.dma_semaphore, #tpu.memory_space<semaphore_mem>>, %arg10: memref<!tpu.dma_semaphore, #tpu.memory_space<semaphore_mem>>, %arg11: memref<!tpu.dma_semaphore, #tpu.memory_space<semaphore_mem>>) attributes {dimension_semantics = [#tpu.dimension_semantics<core_parallel>, #tpu.dimension_semantics<subcore_parallel>], iteration_bounds = array<i64: 2, 16>, scalar_prefetch = 0 : i64, scratch_operands = 7 : i64, tpu.core_type = #tpu.core_type<sc_vector_subcore>, window_params = [{transform_indices = #map}, {transform_indices = #map}, {transform_indices = #map}]} {
    %mul3A = arith.constant 2 : i32
    %mul3A_0 = arith.muli %arg1, %mul3A : i32
    %add3A = arith.addi %mul3A_0, %arg0 : i32
    %mul3A_1 = arith.constant 128 : i32
    %mul3A_2 = arith.muli %add3A, %mul3A_1 : i32
    "tpu.region"() ({
      %run_scoped3A = tpu.sem_alloc : memref<!tpu.dma_semaphore, #tpu.memory_space<semaphore_mem>>
      %dma_start3A_100 = arith.constant 0 : i32
      %dma_start3A_101 = tpu.memref_slice %arg2[%mul3A_2, %dma_start3A_100] : memref<4096x200xi32, #tpu.memory_space<hbm>> -> memref<128x200xi32, #tpu.memory_space<hbm>>
      %dma_start3A_102 = arith.constant 0 : i32
      %dma_start3A_103 = tpu.memref_slice %arg2[%mul3A_2, %dma_start3A_102] : memref<4096x200xi32, #tpu.memory_space<hbm>> -> memref<128x200xi32, #tpu.memory_space<hbm>>
      tpu.enqueue_dma source(%dma_start3A_103 : memref<128x200xi32, #tpu.memory_space<hbm>>) target(%arg5 : memref<128x200xi32, #tpu.memory_space<vmem>>) target_semaphore(%run_scoped3A : memref<!tpu.dma_semaphore, #tpu.memory_space<semaphore_mem>>)
      %dma_wait3A = arith.constant 0 : i32
      %dma_wait3A_104 = tpu.memref_slice %arg2[%mul3A_2, %dma_wait3A] : memref<4096x200xi32, #tpu.memory_space<hbm>> -> memref<128x200xi32, #tpu.memory_space<hbm>>
      %dma_wait3A_105 = arith.constant 0 : i32
      %dma_wait3A_106 = tpu.memref_slice %arg2[%mul3A_2, %dma_wait3A_105] : memref<4096x200xi32, #tpu.memory_space<hbm>> -> memref<128x200xi32, #tpu.memory_space<hbm>>
      tpu.wait_dma2 semaphore(%run_scoped3A : memref<!tpu.dma_semaphore, #tpu.memory_space<semaphore_mem>>) src(%dma_wait3A_106 : memref<128x200xi32, #tpu.memory_space<hbm>>) dst(%arg5 : memref<128x200xi32, #tpu.memory_space<vmem>>)
      tpu.yield
    }) : () -> ()
    %dma_start3A = arith.constant 0 : i32
    %dma_start3A_3 = arith.constant 0 : i32
    %dma_start3A_4 = arith.constant 0 : i32
    %dma_start3A_5 = arith.constant 0 : i32
    %dma_start3A_6 = tpu.memref_slice %arg6[%dma_start3A_3, %dma_start3A_4, %dma_start3A_5] : memref<4x200x64xf32, #tpu.memory_space<vmem>> -> memref<1x200x64xf32, #tpu.memory_space<vmem>>
    %dma_start3A_7 = tpu.memref_squeeze %dma_start3A_6 : memref<1x200x64xf32, #tpu.memory_space<vmem>> -> memref<200x64xf32, #tpu.memory_space<vmem>>
    %dma_start3A_8 = arith.constant 0 : i32
    %dma_start3A_9 = arith.constant 0 : i32
    %dma_start3A_10 = tpu.memref_slice %dma_start3A_7[%dma_start3A_8, %dma_start3A_9] : memref<200x64xf32, #tpu.memory_space<vmem>> -> memref<128x64xf32, #tpu.memory_space<vmem>>
    %dma_start3A_11 = arith.constant 0 : i32
    %dma_start3A_12 = tpu.memref_slice %arg5[%dma_start3A, %dma_start3A_11] : memref<128x200xi32, #tpu.memory_space<vmem>> -> memref<1x128xi32, #tpu.memory_space<vmem>>
    %dma_start3A_13 = tpu.memref_squeeze %dma_start3A_12 : memref<1x128xi32, #tpu.memory_space<vmem>> -> memref<128xi32, #tpu.memory_space<vmem>>
    %dma_start3A_14 = arith.constant 0 : i32
    %dma_start3A_15 = arith.constant 0 : i32
    %dma_start3A_16 = tpu.memref_slice %arg3[%dma_start3A_14, %dma_start3A_15] : memref<1000000x64xf32, #tpu.memory_space<hbm>> -> memref<1000000x64xf32, #tpu.memory_space<hbm>>
    tpu.enqueue_indirect_dma source(%dma_start3A_16 : memref<1000000x64xf32, #tpu.memory_space<hbm>>) target(%dma_start3A_10 : memref<128x64xf32, #tpu.memory_space<vmem>>) offsets(%dma_start3A_13 : memref<128xi32, #tpu.memory_space<vmem>>) semaphore(%arg8 : memref<!tpu.dma_semaphore, #tpu.memory_space<semaphore_mem>>)
    %dma_start3A_17 = arith.constant 0 : i32
    %dma_start3A_18 = arith.constant 0 : i32
    %dma_start3A_19 = arith.constant 0 : i32
    %dma_start3A_20 = arith.constant 0 : i32
    %dma_start3A_21 = tpu.memref_slice %arg6[%dma_start3A_18, %dma_start3A_19, %dma_start3A_20] : memref<4x200x64xf32, #tpu.memory_space<vmem>> -> memref<1x200x64xf32, #tpu.memory_space<vmem>>
    %dma_start3A_22 = tpu.memref_squeeze %dma_start3A_21 : memref<1x200x64xf32, #tpu.memory_space<vmem>> -> memref<200x64xf32, #tpu.memory_space<vmem>>
    %dma_start3A_23 = arith.constant 128 : i32
    %dma_start3A_24 = arith.constant 0 : i32
    %dma_start3A_25 = tpu.memref_slice %dma_start3A_22[%dma_start3A_23, %dma_start3A_24] : memref<200x64xf32, #tpu.memory_space<vmem>> -> memref<72x64xf32, #tpu.memory_space<vmem>>
    %dma_start3A_26 = arith.constant 128 : i32
    %dma_start3A_27 = tpu.memref_slice %arg5[%dma_start3A_17, %dma_start3A_26] : memref<128x200xi32, #tpu.memory_space<vmem>> -> memref<1x72xi32, #tpu.memory_space<vmem>>
    %dma_start3A_28 = tpu.memref_squeeze %dma_start3A_27 : memref<1x72xi32, #tpu.memory_space<vmem>> -> memref<72xi32, #tpu.memory_space<vmem>>
    %dma_start3A_29 = arith.constant 0 : i32
    %dma_start3A_30 = arith.constant 0 : i32
    %dma_start3A_31 = tpu.memref_slice %arg3[%dma_start3A_29, %dma_start3A_30] : memref<1000000x64xf32, #tpu.memory_space<hbm>> -> memref<1000000x64xf32, #tpu.memory_space<hbm>>
    tpu.enqueue_indirect_dma source(%dma_start3A_31 : memref<1000000x64xf32, #tpu.memory_space<hbm>>) target(%dma_start3A_25 : memref<72x64xf32, #tpu.memory_space<vmem>>) offsets(%dma_start3A_28 : memref<72xi32, #tpu.memory_space<vmem>>) semaphore(%arg8 : memref<!tpu.dma_semaphore, #tpu.memory_space<semaphore_mem>>)
    %dma_start3A_32 = arith.constant 1 : i32
    %dma_start3A_33 = arith.constant 1 : i32
    %dma_start3A_34 = arith.constant 0 : i32
    %dma_start3A_35 = arith.constant 0 : i32
    %dma_start3A_36 = tpu.memref_slice %arg6[%dma_start3A_33, %dma_start3A_34, %dma_start3A_35] : memref<4x200x64xf32, #tpu.memory_space<vmem>> -> memref<1x200x64xf32, #tpu.memory_space<vmem>>
    %dma_start3A_37 = tpu.memref_squeeze %dma_start3A_36 : memref<1x200x64xf32, #tpu.memory_space<vmem>> -> memref<200x64xf32, #tpu.memory_space<vmem>>
    %dma_start3A_38 = arith.constant 0 : i32
    %dma_start3A_39 = arith.constant 0 : i32
    %dma_start3A_40 = tpu.memref_slice %dma_start3A_37[%dma_start3A_38, %dma_start3A_39] : memref<200x64xf32, #tpu.memory_space<vmem>> -> memref<128x64xf32, #tpu.memory_space<vmem>>
    %dma_start3A_41 = arith.constant 0 : i32
    %dma_start3A_42 = tpu.memref_slice %arg5[%dma_start3A_32, %dma_start3A_41] : memref<128x200xi32, #tpu.memory_space<vmem>> -> memref<1x128xi32, #tpu.memory_space<vmem>>
    %dma_start3A_43 = tpu.memref_squeeze %dma_start3A_42 : memref<1x128xi32, #tpu.memory_space<vmem>> -> memref<128xi32, #tpu.memory_space<vmem>>
    %dma_start3A_44 = arith.constant 0 : i32
    %dma_start3A_45 = arith.constant 0 : i32
    %dma_start3A_46 = tpu.memref_slice %arg3[%dma_start3A_44, %dma_start3A_45] : memref<1000000x64xf32, #tpu.memory_space<hbm>> -> memref<1000000x64xf32, #tpu.memory_space<hbm>>
    tpu.enqueue_indirect_dma source(%dma_start3A_46 : memref<1000000x64xf32, #tpu.memory_space<hbm>>) target(%dma_start3A_40 : memref<128x64xf32, #tpu.memory_space<vmem>>) offsets(%dma_start3A_43 : memref<128xi32, #tpu.memory_space<vmem>>) semaphore(%arg9 : memref<!tpu.dma_semaphore, #tpu.memory_space<semaphore_mem>>)
    %dma_start3A_47 = arith.constant 1 : i32
    %dma_start3A_48 = arith.constant 1 : i32
    %dma_start3A_49 = arith.constant 0 : i32
    %dma_start3A_50 = arith.constant 0 : i32
    %dma_start3A_51 = tpu.memref_slice %arg6[%dma_start3A_48, %dma_start3A_49, %dma_start3A_50] : memref<4x200x64xf32, #tpu.memory_space<vmem>> -> memref<1x200x64xf32, #tpu.memory_space<vmem>>
    %dma_start3A_52 = tpu.memref_squeeze %dma_start3A_51 : memref<1x200x64xf32, #tpu.memory_space<vmem>> -> memref<200x64xf32, #tpu.memory_space<vmem>>
    %dma_start3A_53 = arith.constant 128 : i32
    %dma_start3A_54 = arith.constant 0 : i32
    %dma_start3A_55 = tpu.memref_slice %dma_start3A_52[%dma_start3A_53, %dma_start3A_54] : memref<200x64xf32, #tpu.memory_space<vmem>> -> memref<72x64xf32, #tpu.memory_space<vmem>>
    %dma_start3A_56 = arith.constant 128 : i32
    %dma_start3A_57 = tpu.memref_slice %arg5[%dma_start3A_47, %dma_start3A_56] : memref<128x200xi32, #tpu.memory_space<vmem>> -> memref<1x72xi32, #tpu.memory_space<vmem>>
    %dma_start3A_58 = tpu.memref_squeeze %dma_start3A_57 : memref<1x72xi32, #tpu.memory_space<vmem>> -> memref<72xi32, #tpu.memory_space<vmem>>
    %dma_start3A_59 = arith.constant 0 : i32
    %dma_start3A_60 = arith.constant 0 : i32
    %dma_start3A_61 = tpu.memref_slice %arg3[%dma_start3A_59, %dma_start3A_60] : memref<1000000x64xf32, #tpu.memory_space<hbm>> -> memref<1000000x64xf32, #tpu.memory_space<hbm>>
    tpu.enqueue_indirect_dma source(%dma_start3A_61 : memref<1000000x64xf32, #tpu.memory_space<hbm>>) target(%dma_start3A_55 : memref<72x64xf32, #tpu.memory_space<vmem>>) offsets(%dma_start3A_58 : memref<72xi32, #tpu.memory_space<vmem>>) semaphore(%arg9 : memref<!tpu.dma_semaphore, #tpu.memory_space<semaphore_mem>>)
    %dma_start3A_62 = arith.constant 2 : i32
    %dma_start3A_63 = arith.constant 2 : i32
    %dma_start3A_64 = arith.constant 0 : i32
    %dma_start3A_65 = arith.constant 0 : i32
    %dma_start3A_66 = tpu.memref_slice %arg6[%dma_start3A_63, %dma_start3A_64, %dma_start3A_65] : memref<4x200x64xf32, #tpu.memory_space<vmem>> -> memref<1x200x64xf32, #tpu.memory_space<vmem>>
    %dma_start3A_67 = tpu.memref_squeeze %dma_start3A_66 : memref<1x200x64xf32, #tpu.memory_space<vmem>> -> memref<200x64xf32, #tpu.memory_space<vmem>>
    %dma_start3A_68 = arith.constant 0 : i32
    %dma_start3A_69 = arith.constant 0 : i32
    %dma_start3A_70 = tpu.memref_slice %dma_start3A_67[%dma_start3A_68, %dma_start3A_69] : memref<200x64xf32, #tpu.memory_space<vmem>> -> memref<128x64xf32, #tpu.memory_space<vmem>>
    %dma_start3A_71 = arith.constant 0 : i32
    %dma_start3A_72 = tpu.memref_slice %arg5[%dma_start3A_62, %dma_start3A_71] : memref<128x200xi32, #tpu.memory_space<vmem>> -> memref<1x128xi32, #tpu.memory_space<vmem>>
    %dma_start3A_73 = tpu.memref_squeeze %dma_start3A_72 : memref<1x128xi32, #tpu.memory_space<vmem>> -> memref<128xi32, #tpu.memory_space<vmem>>
    %dma_start3A_74 = arith.constant 0 : i32
    %dma_start3A_75 = arith.constant 0 : i32
    %dma_start3A_76 = tpu.memref_slice %arg3[%dma_start3A_74, %dma_start3A_75] : memref<1000000x64xf32, #tpu.memory_space<hbm>> -> memref<1000000x64xf32, #tpu.memory_space<hbm>>
    tpu.enqueue_indirect_dma source(%dma_start3A_76 : memref<1000000x64xf32, #tpu.memory_space<hbm>>) target(%dma_start3A_70 : memref<128x64xf32, #tpu.memory_space<vmem>>) offsets(%dma_start3A_73 : memref<128xi32, #tpu.memory_space<vmem>>) semaphore(%arg10 : memref<!tpu.dma_semaphore, #tpu.memory_space<semaphore_mem>>)
    %dma_start3A_77 = arith.constant 2 : i32
    %dma_start3A_78 = arith.constant 2 : i32
    %dma_start3A_79 = arith.constant 0 : i32
    %dma_start3A_80 = arith.constant 0 : i32
    %dma_start3A_81 = tpu.memref_slice %arg6[%dma_start3A_78, %dma_start3A_79, %dma_start3A_80] : memref<4x200x64xf32, #tpu.memory_space<vmem>> -> memref<1x200x64xf32, #tpu.memory_space<vmem>>
    %dma_start3A_82 = tpu.memref_squeeze %dma_start3A_81 : memref<1x200x64xf32, #tpu.memory_space<vmem>> -> memref<200x64xf32, #tpu.memory_space<vmem>>
    %dma_start3A_83 = arith.constant 128 : i32
    %dma_start3A_84 = arith.constant 0 : i32
    %dma_start3A_85 = tpu.memref_slice %dma_start3A_82[%dma_start3A_83, %dma_start3A_84] : memref<200x64xf32, #tpu.memory_space<vmem>> -> memref<72x64xf32, #tpu.memory_space<vmem>>
    %dma_start3A_86 = arith.constant 128 : i32
    %dma_start3A_87 = tpu.memref_slice %arg5[%dma_start3A_77, %dma_start3A_86] : memref<128x200xi32, #tpu.memory_space<vmem>> -> memref<1x72xi32, #tpu.memory_space<vmem>>
    %dma_start3A_88 = tpu.memref_squeeze %dma_start3A_87 : memref<1x72xi32, #tpu.memory_space<vmem>> -> memref<72xi32, #tpu.memory_space<vmem>>
    %dma_start3A_89 = arith.constant 0 : i32
    %dma_start3A_90 = arith.constant 0 : i32
    %dma_start3A_91 = tpu.memref_slice %arg3[%dma_start3A_89, %dma_start3A_90] : memref<1000000x64xf32, #tpu.memory_space<hbm>> -> memref<1000000x64xf32, #tpu.memory_space<hbm>>
    tpu.enqueue_indirect_dma source(%dma_start3A_91 : memref<1000000x64xf32, #tpu.memory_space<hbm>>) target(%dma_start3A_85 : memref<72x64xf32, #tpu.memory_space<vmem>>) offsets(%dma_start3A_88 : memref<72xi32, #tpu.memory_space<vmem>>) semaphore(%arg10 : memref<!tpu.dma_semaphore, #tpu.memory_space<semaphore_mem>>)
    %scan3A = arith.constant 0 : i32
    %scan3A_92 = arith.constant 0 : i32
    %scan3A_93 = arith.constant 32 : i32
    %scan3A_94 = arith.addi %scan3A_92, %scan3A_93 : i32
    %scan3A_95 = arith.constant 1 : i32
    %scan3A_96 = scf.for %scan3A_100 = %scan3A_92 to %scan3A_94 step %scan3A_95 iter_args(%scan3A_101 = %scan3A) -> (i32)  : i32 {
      %mul3A_102 = arith.constant 4 : i32
      %mul3A_103 = arith.muli %scan3A_100, %mul3A_102 : i32
      %add3A_104 = arith.constant 0 : i32
      %add3A_105 = arith.addi %mul3A_103, %add3A_104 : i32
      %add3A_106 = arith.constant 4 : i32
      %add3A_107 = arith.addi %add3A_105, %add3A_106 : i32
      %sub3A = arith.constant 1 : i32
      %sub3A_108 = arith.subi %add3A_107, %sub3A : i32
      %lt3A = arith.constant 128 : i32
      %lt3A_109 = arith.cmpi slt, %sub3A_108, %lt3A : i32
      %convert_element_type3A = arith.extui %lt3A_109 : i1 to i32
      %cond3A = arith.constant 0 : i32
      %cond3A_110 = arith.cmpi ne, %convert_element_type3A, %cond3A : i32
      scf.if %cond3A_110 {
        %add3A_404 = arith.constant 4 : i32
        %add3A_405 = arith.addi %add3A_105, %add3A_404 : i32
        %sub3A_406 = arith.constant 1 : i32
        %sub3A_407 = arith.subi %add3A_405, %sub3A_406 : i32
        %dma_start3A_408 = arith.constant 3 : i32
        %dma_start3A_409 = arith.constant 0 : i32
        %dma_start3A_410 = arith.constant 0 : i32
        %dma_start3A_411 = tpu.memref_slice %arg6[%dma_start3A_408, %dma_start3A_409, %dma_start3A_410] : memref<4x200x64xf32, #tpu.memory_space<vmem>> -> memref<1x200x64xf32, #tpu.memory_space<vmem>>
        %dma_start3A_412 = tpu.memref_squeeze %dma_start3A_411 : memref<1x200x64xf32, #tpu.memory_space<vmem>> -> memref<200x64xf32, #tpu.memory_space<vmem>>
        %dma_start3A_413 = arith.constant 0 : i32
        %dma_start3A_414 = arith.constant 0 : i32
        %dma_start3A_415 = tpu.memref_slice %dma_start3A_412[%dma_start3A_413, %dma_start3A_414] : memref<200x64xf32, #tpu.memory_space<vmem>> -> memref<128x64xf32, #tpu.memory_space<vmem>>
        %dma_start3A_416 = arith.constant 0 : i32
        %dma_start3A_417 = tpu.memref_slice %arg5[%sub3A_407, %dma_start3A_416] : memref<128x200xi32, #tpu.memory_space<vmem>> -> memref<1x128xi32, #tpu.memory_space<vmem>>
        %dma_start3A_418 = tpu.memref_squeeze %dma_start3A_417 : memref<1x128xi32, #tpu.memory_space<vmem>> -> memref<128xi32, #tpu.memory_space<vmem>>
        %dma_start3A_419 = arith.constant 0 : i32
        %dma_start3A_420 = arith.constant 0 : i32
        %dma_start3A_421 = tpu.memref_slice %arg3[%dma_start3A_419, %dma_start3A_420] : memref<1000000x64xf32, #tpu.memory_space<hbm>> -> memref<1000000x64xf32, #tpu.memory_space<hbm>>
        tpu.enqueue_indirect_dma source(%dma_start3A_421 : memref<1000000x64xf32, #tpu.memory_space<hbm>>) target(%dma_start3A_415 : memref<128x64xf32, #tpu.memory_space<vmem>>) offsets(%dma_start3A_418 : memref<128xi32, #tpu.memory_space<vmem>>) semaphore(%arg11 : memref<!tpu.dma_semaphore, #tpu.memory_space<semaphore_mem>>)
        %dma_start3A_422 = arith.constant 3 : i32
        %dma_start3A_423 = arith.constant 0 : i32
        %dma_start3A_424 = arith.constant 0 : i32
        %dma_start3A_425 = tpu.memref_slice %arg6[%dma_start3A_422, %dma_start3A_423, %dma_start3A_424] : memref<4x200x64xf32, #tpu.memory_space<vmem>> -> memref<1x200x64xf32, #tpu.memory_space<vmem>>
        %dma_start3A_426 = tpu.memref_squeeze %dma_start3A_425 : memref<1x200x64xf32, #tpu.memory_space<vmem>> -> memref<200x64xf32, #tpu.memory_space<vmem>>
        %dma_start3A_427 = arith.constant 128 : i32
        %dma_start3A_428 = arith.constant 0 : i32
        %dma_start3A_429 = tpu.memref_slice %dma_start3A_426[%dma_start3A_427, %dma_start3A_428] : memref<200x64xf32, #tpu.memory_space<vmem>> -> memref<72x64xf32, #tpu.memory_space<vmem>>
        %dma_start3A_430 = arith.constant 128 : i32
        %dma_start3A_431 = tpu.memref_slice %arg5[%sub3A_407, %dma_start3A_430] : memref<128x200xi32, #tpu.memory_space<vmem>> -> memref<1x72xi32, #tpu.memory_space<vmem>>
        %dma_start3A_432 = tpu.memref_squeeze %dma_start3A_431 : memref<1x72xi32, #tpu.memory_space<vmem>> -> memref<72xi32, #tpu.memory_space<vmem>>
        %dma_start3A_433 = arith.constant 0 : i32
        %dma_start3A_434 = arith.constant 0 : i32
        %dma_start3A_435 = tpu.memref_slice %arg3[%dma_start3A_433, %dma_start3A_434] : memref<1000000x64xf32, #tpu.memory_space<hbm>> -> memref<1000000x64xf32, #tpu.memory_space<hbm>>
        tpu.enqueue_indirect_dma source(%dma_start3A_435 : memref<1000000x64xf32, #tpu.memory_space<hbm>>) target(%dma_start3A_429 : memref<72x64xf32, #tpu.memory_space<vmem>>) offsets(%dma_start3A_432 : memref<72xi32, #tpu.memory_space<vmem>>) semaphore(%arg11 : memref<!tpu.dma_semaphore, #tpu.memory_space<semaphore_mem>>)
      } else {
      }
      %dma_wait3A = arith.constant 0 : i32
      %dma_wait3A_111 = arith.constant 0 : i32
      %dma_wait3A_112 = arith.constant 0 : i32
      %dma_wait3A_113 = arith.constant 0 : i32
      %dma_wait3A_114 = tpu.memref_slice %arg6[%dma_wait3A_111, %dma_wait3A_112, %dma_wait3A_113] : memref<4x200x64xf32, #tpu.memory_space<vmem>> -> memref<1x200x64xf32, #tpu.memory_space<vmem>>
      %dma_wait3A_115 = tpu.memref_squeeze %dma_wait3A_114 : memref<1x200x64xf32, #tpu.memory_space<vmem>> -> memref<200x64xf32, #tpu.memory_space<vmem>>
      %dma_wait3A_116 = arith.constant 0 : i32
      %dma_wait3A_117 = arith.constant 0 : i32
      %dma_wait3A_118 = tpu.memref_slice %dma_wait3A_115[%dma_wait3A_116, %dma_wait3A_117] : memref<200x64xf32, #tpu.memory_space<vmem>> -> memref<128x64xf32, #tpu.memory_space<vmem>>
      %dma_wait3A_119 = arith.constant 0 : i32
      %dma_wait3A_120 = tpu.memref_slice %arg5[%dma_wait3A, %dma_wait3A_119] : memref<128x200xi32, #tpu.memory_space<vmem>> -> memref<1x128xi32, #tpu.memory_space<vmem>>
      %dma_wait3A_121 = tpu.memref_squeeze %dma_wait3A_120 : memref<1x128xi32, #tpu.memory_space<vmem>> -> memref<128xi32, #tpu.memory_space<vmem>>
      %dma_wait3A_122 = arith.constant 0 : i32
      %dma_wait3A_123 = arith.constant 0 : i32
      %dma_wait3A_124 = tpu.memref_slice %arg3[%dma_wait3A_122, %dma_wait3A_123] : memref<1000000x64xf32, #tpu.memory_space<hbm>> -> memref<1000000x64xf32, #tpu.memory_space<hbm>>
      tpu.wait_indirect_dma semaphore(%arg8 : memref<!tpu.dma_semaphore, #tpu.memory_space<semaphore_mem>>) src(%dma_wait3A_124 : memref<1000000x64xf32, #tpu.memory_space<hbm>>) dst(%dma_wait3A_118 : memref<128x64xf32, #tpu.memory_space<vmem>>)
      %dma_wait3A_125 = arith.constant 0 : i32
      %dma_wait3A_126 = arith.constant 0 : i32
      %dma_wait3A_127 = arith.constant 0 : i32
      %dma_wait3A_128 = arith.constant 0 : i32
      %dma_wait3A_129 = tpu.memref_slice %arg6[%dma_wait3A_126, %dma_wait3A_127, %dma_wait3A_128] : memref<4x200x64xf32, #tpu.memory_space<vmem>> -> memref<1x200x64xf32, #tpu.memory_space<vmem>>
      %dma_wait3A_130 = tpu.memref_squeeze %dma_wait3A_129 : memref<1x200x64xf32, #tpu.memory_space<vmem>> -> memref<200x64xf32, #tpu.memory_space<vmem>>
      %dma_wait3A_131 = arith.constant 128 : i32
      %dma_wait3A_132 = arith.constant 0 : i32
      %dma_wait3A_133 = tpu.memref_slice %dma_wait3A_130[%dma_wait3A_131, %dma_wait3A_132] : memref<200x64xf32, #tpu.memory_space<vmem>> -> memref<72x64xf32, #tpu.memory_space<vmem>>
      %dma_wait3A_134 = arith.constant 128 : i32
      %dma_wait3A_135 = tpu.memref_slice %arg5[%dma_wait3A_125, %dma_wait3A_134] : memref<128x200xi32, #tpu.memory_space<vmem>> -> memref<1x72xi32, #tpu.memory_space<vmem>>
      %dma_wait3A_136 = tpu.memref_squeeze %dma_wait3A_135 : memref<1x72xi32, #tpu.memory_space<vmem>> -> memref<72xi32, #tpu.memory_space<vmem>>
      %dma_wait3A_137 = arith.constant 0 : i32
      %dma_wait3A_138 = arith.constant 0 : i32
      %dma_wait3A_139 = tpu.memref_slice %arg3[%dma_wait3A_137, %dma_wait3A_138] : memref<1000000x64xf32, #tpu.memory_space<hbm>> -> memref<1000000x64xf32, #tpu.memory_space<hbm>>
      tpu.wait_indirect_dma semaphore(%arg8 : memref<!tpu.dma_semaphore, #tpu.memory_space<semaphore_mem>>) src(%dma_wait3A_139 : memref<1000000x64xf32, #tpu.memory_space<hbm>>) dst(%dma_wait3A_133 : memref<72x64xf32, #tpu.memory_space<vmem>>)
      %broadcast_in_dim3A = arith.constant 0.000000e+00 : f32
      %broadcast_in_dim3A_140 = vector.broadcast %broadcast_in_dim3A : f32 to vector<16xf32>
      %broadcast_in_dim3A_141 = arith.constant 0.000000e+00 : f32
      %broadcast_in_dim3A_142 = vector.broadcast %broadcast_in_dim3A_141 : f32 to vector<16xf32>
      %broadcast_in_dim3A_143 = arith.constant 0.000000e+00 : f32
      %broadcast_in_dim3A_144 = vector.broadcast %broadcast_in_dim3A_143 : f32 to vector<16xf32>
      %broadcast_in_dim3A_145 = arith.constant 0.000000e+00 : f32
      %broadcast_in_dim3A_146 = vector.broadcast %broadcast_in_dim3A_145 : f32 to vector<16xf32>
      %scan3A_147 = arith.constant 0 : i32
      %scan3A_148 = arith.constant 200 : i32
      %scan3A_149 = arith.addi %scan3A_147, %scan3A_148 : i32
      %scan3A_150 = arith.constant 4 : i32
      %scan3A_151:4 = scf.for %scan3A_404 = %scan3A_147 to %scan3A_149 step %scan3A_150 iter_args(%scan3A_405 = %broadcast_in_dim3A_140, %scan3A_406 = %broadcast_in_dim3A_142, %scan3A_407 = %broadcast_in_dim3A_144, %scan3A_408 = %broadcast_in_dim3A_146) -> (vector<16xf32>, vector<16xf32>, vector<16xf32>, vector<16xf32>)  : i32 {
        %get3A = arith.constant 0 : i32
        %get3A_409 = arith.index_cast %get3A : i32 to index
        %get3A_410 = arith.index_cast %scan3A_404 : i32 to index
        %get3A_411 = arith.constant 0 : index
        %get3A_412 = tpu.vector_load %arg6[%get3A_409, %get3A_410, %get3A_411] {strides = array<i32>} : memref<4x200x64xf32, #tpu.memory_space<vmem>>, vector<1x1x16xf32>,
        %get3A_413 = vector.shape_cast %get3A_412 : vector<1x1x16xf32> to vector<16xf32>
        %add3A_414 = arith.addf %scan3A_405, %get3A_413 : vector<16xf32>
        %get3A_415 = arith.constant 0 : i32
        %get3A_416 = arith.index_cast %get3A_415 : i32 to index
        %get3A_417 = arith.index_cast %scan3A_404 : i32 to index
        %get3A_418 = arith.constant 16 : index
        %get3A_419 = tpu.vector_load %arg6[%get3A_416, %get3A_417, %get3A_418] {strides = array<i32>} : memref<4x200x64xf32, #tpu.memory_space<vmem>>, vector<1x1x16xf32>,
        %get3A_420 = vector.shape_cast %get3A_419 : vector<1x1x16xf32> to vector<16xf32>
        %add3A_421 = arith.addf %scan3A_406, %get3A_420 : vector<16xf32>
        %get3A_422 = arith.constant 0 : i32
        %get3A_423 = arith.index_cast %get3A_422 : i32 to index
        %get3A_424 = arith.index_cast %scan3A_404 : i32 to index
        %get3A_425 = arith.constant 32 : index
        %get3A_426 = tpu.vector_load %arg6[%get3A_423, %get3A_424, %get3A_425] {strides = array<i32>} : memref<4x200x64xf32, #tpu.memory_space<vmem>>, vector<1x1x16xf32>,
        %get3A_427 = vector.shape_cast %get3A_426 : vector<1x1x16xf32> to vector<16xf32>
        %add3A_428 = arith.addf %scan3A_407, %get3A_427 : vector<16xf32>
        %get3A_429 = arith.constant 0 : i32
        %get3A_430 = arith.index_cast %get3A_429 : i32 to index
        %get3A_431 = arith.index_cast %scan3A_404 : i32 to index
        %get3A_432 = arith.constant 48 : index
        %get3A_433 = tpu.vector_load %arg6[%get3A_430, %get3A_431, %get3A_432] {strides = array<i32>} : memref<4x200x64xf32, #tpu.memory_space<vmem>>, vector<1x1x16xf32>,
        %get3A_434 = vector.shape_cast %get3A_433 : vector<1x1x16xf32> to vector<16xf32>
        %add3A_435 = arith.addf %scan3A_408, %get3A_434 : vector<16xf32>
        %scan3A_436 = arith.constant 1 : i32
        %scan3A_437 = arith.addi %scan3A_404, %scan3A_436 : i32
        %get3A_438 = arith.constant 0 : i32
        %get3A_439 = arith.index_cast %get3A_438 : i32 to index
        %get3A_440 = arith.index_cast %scan3A_437 : i32 to index
        %get3A_441 = arith.constant 0 : index
        %get3A_442 = tpu.vector_load %arg6[%get3A_439, %get3A_440, %get3A_441] {strides = array<i32>} : memref<4x200x64xf32, #tpu.memory_space<vmem>>, vector<1x1x16xf32>,
        %get3A_443 = vector.shape_cast %get3A_442 : vector<1x1x16xf32> to vector<16xf32>
        %add3A_444 = arith.addf %add3A_414, %get3A_443 : vector<16xf32>
        %get3A_445 = arith.constant 0 : i32
        %get3A_446 = arith.index_cast %get3A_445 : i32 to index
        %get3A_447 = arith.index_cast %scan3A_437 : i32 to index
        %get3A_448 = arith.constant 16 : index
        %get3A_449 = tpu.vector_load %arg6[%get3A_446, %get3A_447, %get3A_448] {strides = array<i32>} : memref<4x200x64xf32, #tpu.memory_space<vmem>>, vector<1x1x16xf32>,
        %get3A_450 = vector.shape_cast %get3A_449 : vector<1x1x16xf32> to vector<16xf32>
        %add3A_451 = arith.addf %add3A_421, %get3A_450 : vector<16xf32>
        %get3A_452 = arith.constant 0 : i32
        %get3A_453 = arith.index_cast %get3A_452 : i32 to index
        %get3A_454 = arith.index_cast %scan3A_437 : i32 to index
        %get3A_455 = arith.constant 32 : index
        %get3A_456 = tpu.vector_load %arg6[%get3A_453, %get3A_454, %get3A_455] {strides = array<i32>} : memref<4x200x64xf32, #tpu.memory_space<vmem>>, vector<1x1x16xf32>,
        %get3A_457 = vector.shape_cast %get3A_456 : vector<1x1x16xf32> to vector<16xf32>
        %add3A_458 = arith.addf %add3A_428, %get3A_457 : vector<16xf32>
        %get3A_459 = arith.constant 0 : i32
        %get3A_460 = arith.index_cast %get3A_459 : i32 to index
        %get3A_461 = arith.index_cast %scan3A_437 : i32 to index
        %get3A_462 = arith.constant 48 : index
        %get3A_463 = tpu.vector_load %arg6[%get3A_460, %get3A_461, %get3A_462] {strides = array<i32>} : memref<4x200x64xf32, #tpu.memory_space<vmem>>, vector<1x1x16xf32>,
        %get3A_464 = vector.shape_cast %get3A_463 : vector<1x1x16xf32> to vector<16xf32>
        %add3A_465 = arith.addf %add3A_435, %get3A_464 : vector<16xf32>
        %scan3A_466 = arith.constant 2 : i32
        %scan3A_467 = arith.addi %scan3A_404, %scan3A_466 : i32
        %get3A_468 = arith.constant 0 : i32
        %get3A_469 = arith.index_cast %get3A_468 : i32 to index
        %get3A_470 = arith.index_cast %scan3A_467 : i32 to index
        %get3A_471 = arith.constant 0 : index
        %get3A_472 = tpu.vector_load %arg6[%get3A_469, %get3A_470, %get3A_471] {strides = array<i32>} : memref<4x200x64xf32, #tpu.memory_space<vmem>>, vector<1x1x16xf32>,
        %get3A_473 = vector.shape_cast %get3A_472 : vector<1x1x16xf32> to vector<16xf32>
        %add3A_474 = arith.addf %add3A_444, %get3A_473 : vector<16xf32>
        %get3A_475 = arith.constant 0 : i32
        %get3A_476 = arith.index_cast %get3A_475 : i32 to index
        %get3A_477 = arith.index_cast %scan3A_467 : i32 to index
        %get3A_478 = arith.constant 16 : index
        %get3A_479 = tpu.vector_load %arg6[%get3A_476, %get3A_477, %get3A_478] {strides = array<i32>} : memref<4x200x64xf32, #tpu.memory_space<vmem>>, vector<1x1x16xf32>,
        %get3A_480 = vector.shape_cast %get3A_479 : vector<1x1x16xf32> to vector<16xf32>
        %add3A_481 = arith.addf %add3A_451, %get3A_480 : vector<16xf32>
        %get3A_482 = arith.constant 0 : i32
        %get3A_483 = arith.index_cast %get3A_482 : i32 to index
        %get3A_484 = arith.index_cast %scan3A_467 : i32 to index
        %get3A_485 = arith.constant 32 : index
        %get3A_486 = tpu.vector_load %arg6[%get3A_483, %get3A_484, %get3A_485] {strides = array<i32>} : memref<4x200x64xf32, #tpu.memory_space<vmem>>, vector<1x1x16xf32>,
        %get3A_487 = vector.shape_cast %get3A_486 : vector<1x1x16xf32> to vector<16xf32>
        %add3A_488 = arith.addf %add3A_458, %get3A_487 : vector<16xf32>
        %get3A_489 = arith.constant 0 : i32
        %get3A_490 = arith.index_cast %get3A_489 : i32 to index
        %get3A_491 = arith.index_cast %scan3A_467 : i32 to index
        %get3A_492 = arith.constant 48 : index
        %get3A_493 = tpu.vector_load %arg6[%get3A_490, %get3A_491, %get3A_492] {strides = array<i32>} : memref<4x200x64xf32, #tpu.memory_space<vmem>>, vector<1x1x16xf32>,
        %get3A_494 = vector.shape_cast %get3A_493 : vector<1x1x16xf32> to vector<16xf32>
        %add3A_495 = arith.addf %add3A_465, %get3A_494 : vector<16xf32>
        %scan3A_496 = arith.constant 3 : i32
        %scan3A_497 = arith.addi %scan3A_404, %scan3A_496 : i32
        %get3A_498 = arith.constant 0 : i32
        %get3A_499 = arith.index_cast %get3A_498 : i32 to index
        %get3A_500 = arith.index_cast %scan3A_497 : i32 to index
        %get3A_501 = arith.constant 0 : index
        %get3A_502 = tpu.vector_load %arg6[%get3A_499, %get3A_500, %get3A_501] {strides = array<i32>} : memref<4x200x64xf32, #tpu.memory_space<vmem>>, vector<1x1x16xf32>,
        %get3A_503 = vector.shape_cast %get3A_502 : vector<1x1x16xf32> to vector<16xf32>
        %add3A_504 = arith.addf %add3A_474, %get3A_503 : vector<16xf32>
        %get3A_505 = arith.constant 0 : i32
        %get3A_506 = arith.index_cast %get3A_505 : i32 to index
        %get3A_507 = arith.index_cast %scan3A_497 : i32 to index
        %get3A_508 = arith.constant 16 : index
        %get3A_509 = tpu.vector_load %arg6[%get3A_506, %get3A_507, %get3A_508] {strides = array<i32>} : memref<4x200x64xf32, #tpu.memory_space<vmem>>, vector<1x1x16xf32>,
        %get3A_510 = vector.shape_cast %get3A_509 : vector<1x1x16xf32> to vector<16xf32>
        %add3A_511 = arith.addf %add3A_481, %get3A_510 : vector<16xf32>
        %get3A_512 = arith.constant 0 : i32
        %get3A_513 = arith.index_cast %get3A_512 : i32 to index
        %get3A_514 = arith.index_cast %scan3A_497 : i32 to index
        %get3A_515 = arith.constant 32 : index
        %get3A_516 = tpu.vector_load %arg6[%get3A_513, %get3A_514, %get3A_515] {strides = array<i32>} : memref<4x200x64xf32, #tpu.memory_space<vmem>>, vector<1x1x16xf32>,
        %get3A_517 = vector.shape_cast %get3A_516 : vector<1x1x16xf32> to vector<16xf32>
        %add3A_518 = arith.addf %add3A_488, %get3A_517 : vector<16xf32>
        %get3A_519 = arith.constant 0 : i32
        %get3A_520 = arith.index_cast %get3A_519 : i32 to index
        %get3A_521 = arith.index_cast %scan3A_497 : i32 to index
        %get3A_522 = arith.constant 48 : index
        %get3A_523 = tpu.vector_load %arg6[%get3A_520, %get3A_521, %get3A_522] {strides = array<i32>} : memref<4x200x64xf32, #tpu.memory_space<vmem>>, vector<1x1x16xf32>,
        %get3A_524 = vector.shape_cast %get3A_523 : vector<1x1x16xf32> to vector<16xf32>
        %add3A_525 = arith.addf %add3A_495, %get3A_524 : vector<16xf32>
        scf.yield %add3A_504, %add3A_511, %add3A_518, %add3A_525 : vector<16xf32>, vector<16xf32>, vector<16xf32>, vector<16xf32>
      }
      %scan3A_152 = arith.constant 200 : i32
      %swap3A = arith.index_cast %add3A_105 : i32 to index
      %swap3A_153 = arith.constant 0 : index
      %swap3A_154 = tpu.vector_load %arg7[%swap3A, %swap3A_153] {strides = array<i32>} : memref<128x64xf32, #tpu.memory_space<vmem>>, vector<1x16xf32>,
      %swap3A_155 = vector.shape_cast %swap3A_154 : vector<1x16xf32> to vector<16xf32>
      %swap3A_156 = vector.shape_cast %scan3A_151#0 : vector<16xf32> to vector<1x16xf32>
      tpu.vector_store %arg7[%swap3A, %swap3A_153], %swap3A_156 {strides = array<i32>} : memref<128x64xf32, #tpu.memory_space<vmem>>, vector<1x16xf32>,
      %swap3A_157 = arith.index_cast %add3A_105 : i32 to index
      %swap3A_158 = arith.constant 16 : index
      %swap3A_159 = tpu.vector_load %arg7[%swap3A_157, %swap3A_158] {strides = array<i32>} : memref<128x64xf32, #tpu.memory_space<vmem>>, vector<1x16xf32>,
      %swap3A_160 = vector.shape_cast %swap3A_159 : vector<1x16xf32> to vector<16xf32>
      %swap3A_161 = vector.shape_cast %scan3A_151#1 : vector<16xf32> to vector<1x16xf32>
      tpu.vector_store %arg7[%swap3A_157, %swap3A_158], %swap3A_161 {strides = array<i32>} : memref<128x64xf32, #tpu.memory_space<vmem>>, vector<1x16xf32>,
      %swap3A_162 = arith.index_cast %add3A_105 : i32 to index
      %swap3A_163 = arith.constant 32 : index
      %swap3A_164 = tpu.vector_load %arg7[%swap3A_162, %swap3A_163] {strides = array<i32>} : memref<128x64xf32, #tpu.memory_space<vmem>>, vector<1x16xf32>,
      %swap3A_165 = vector.shape_cast %swap3A_164 : vector<1x16xf32> to vector<16xf32>
      %swap3A_166 = vector.shape_cast %scan3A_151#2 : vector<16xf32> to vector<1x16xf32>
      tpu.vector_store %arg7[%swap3A_162, %swap3A_163], %swap3A_166 {strides = array<i32>} : memref<128x64xf32, #tpu.memory_space<vmem>>, vector<1x16xf32>,
      %swap3A_167 = arith.index_cast %add3A_105 : i32 to index
      %swap3A_168 = arith.constant 48 : index
      %swap3A_169 = tpu.vector_load %arg7[%swap3A_167, %swap3A_168] {strides = array<i32>} : memref<128x64xf32, #tpu.memory_space<vmem>>, vector<1x16xf32>,
      %swap3A_170 = vector.shape_cast %swap3A_169 : vector<1x16xf32> to vector<16xf32>
      %swap3A_171 = vector.shape_cast %scan3A_151#3 : vector<16xf32> to vector<1x16xf32>
      tpu.vector_store %arg7[%swap3A_167, %swap3A_168], %swap3A_171 {strides = array<i32>} : memref<128x64xf32, #tpu.memory_space<vmem>>, vector<1x16xf32>,
      %mul3A_172 = arith.constant 4 : i32
      %mul3A_173 = arith.muli %scan3A_100, %mul3A_172 : i32
      %add3A_174 = arith.constant 1 : i32
      %add3A_175 = arith.addi %mul3A_173, %add3A_174 : i32
      %add3A_176 = arith.constant 4 : i32
      %add3A_177 = arith.addi %add3A_175, %add3A_176 : i32
      %sub3A_178 = arith.constant 1 : i32
      %sub3A_179 = arith.subi %add3A_177, %sub3A_178 : i32
      %lt3A_180 = arith.constant 128 : i32
      %lt3A_181 = arith.cmpi slt, %sub3A_179, %lt3A_180 : i32
      %convert_element_type3A_182 = arith.extui %lt3A_181 : i1 to i32
      %cond3A_183 = arith.constant 0 : i32
      %cond3A_184 = arith.cmpi ne, %convert_element_type3A_182, %cond3A_183 : i32
      scf.if %cond3A_184 {
        %add3A_404 = arith.constant 4 : i32
        %add3A_405 = arith.addi %add3A_175, %add3A_404 : i32
        %sub3A_406 = arith.constant 1 : i32
        %sub3A_407 = arith.subi %add3A_405, %sub3A_406 : i32
        %dma_start3A_408 = arith.constant 0 : i32
        %dma_start3A_409 = arith.constant 0 : i32
        %dma_start3A_410 = arith.constant 0 : i32
        %dma_start3A_411 = tpu.memref_slice %arg6[%dma_start3A_408, %dma_start3A_409, %dma_start3A_410] : memref<4x200x64xf32, #tpu.memory_space<vmem>> -> memref<1x200x64xf32, #tpu.memory_space<vmem>>
        %dma_start3A_412 = tpu.memref_squeeze %dma_start3A_411 : memref<1x200x64xf32, #tpu.memory_space<vmem>> -> memref<200x64xf32, #tpu.memory_space<vmem>>
        %dma_start3A_413 = arith.constant 0 : i32
        %dma_start3A_414 = arith.constant 0 : i32
        %dma_start3A_415 = tpu.memref_slice %dma_start3A_412[%dma_start3A_413, %dma_start3A_414] : memref<200x64xf32, #tpu.memory_space<vmem>> -> memref<128x64xf32, #tpu.memory_space<vmem>>
        %dma_start3A_416 = arith.constant 0 : i32
        %dma_start3A_417 = tpu.memref_slice %arg5[%sub3A_407, %dma_start3A_416] : memref<128x200xi32, #tpu.memory_space<vmem>> -> memref<1x128xi32, #tpu.memory_space<vmem>>
        %dma_start3A_418 = tpu.memref_squeeze %dma_start3A_417 : memref<1x128xi32, #tpu.memory_space<vmem>> -> memref<128xi32, #tpu.memory_space<vmem>>
        %dma_start3A_419 = arith.constant 0 : i32
        %dma_start3A_420 = arith.constant 0 : i32
        %dma_start3A_421 = tpu.memref_slice %arg3[%dma_start3A_419, %dma_start3A_420] : memref<1000000x64xf32, #tpu.memory_space<hbm>> -> memref<1000000x64xf32, #tpu.memory_space<hbm>>
        tpu.enqueue_indirect_dma source(%dma_start3A_421 : memref<1000000x64xf32, #tpu.memory_space<hbm>>) target(%dma_start3A_415 : memref<128x64xf32, #tpu.memory_space<vmem>>) offsets(%dma_start3A_418 : memref<128xi32, #tpu.memory_space<vmem>>) semaphore(%arg8 : memref<!tpu.dma_semaphore, #tpu.memory_space<semaphore_mem>>)
        %dma_start3A_422 = arith.constant 0 : i32
        %dma_start3A_423 = arith.constant 0 : i32
        %dma_start3A_424 = arith.constant 0 : i32
        %dma_start3A_425 = tpu.memref_slice %arg6[%dma_start3A_422, %dma_start3A_423, %dma_start3A_424] : memref<4x200x64xf32, #tpu.memory_space<vmem>> -> memref<1x200x64xf32, #tpu.memory_space<vmem>>
        %dma_start3A_426 = tpu.memref_squeeze %dma_start3A_425 : memref<1x200x64xf32, #tpu.memory_space<vmem>> -> memref<200x64xf32, #tpu.memory_space<vmem>>
        %dma_start3A_427 = arith.constant 128 : i32
        %dma_start3A_428 = arith.constant 0 : i32
        %dma_start3A_429 = tpu.memref_slice %dma_start3A_426[%dma_start3A_427, %dma_start3A_428] : memref<200x64xf32, #tpu.memory_space<vmem>> -> memref<72x64xf32, #tpu.memory_space<vmem>>
        %dma_start3A_430 = arith.constant 128 : i32
        %dma_start3A_431 = tpu.memref_slice %arg5[%sub3A_407, %dma_start3A_430] : memref<128x200xi32, #tpu.memory_space<vmem>> -> memref<1x72xi32, #tpu.memory_space<vmem>>
        %dma_start3A_432 = tpu.memref_squeeze %dma_start3A_431 : memref<1x72xi32, #tpu.memory_space<vmem>> -> memref<72xi32, #tpu.memory_space<vmem>>
        %dma_start3A_433 = arith.constant 0 : i32
        %dma_start3A_434 = arith.constant 0 : i32
        %dma_start3A_435 = tpu.memref_slice %arg3[%dma_start3A_433, %dma_start3A_434] : memref<1000000x64xf32, #tpu.memory_space<hbm>> -> memref<1000000x64xf32, #tpu.memory_space<hbm>>
        tpu.enqueue_indirect_dma source(%dma_start3A_435 : memref<1000000x64xf32, #tpu.memory_space<hbm>>) target(%dma_start3A_429 : memref<72x64xf32, #tpu.memory_space<vmem>>) offsets(%dma_start3A_432 : memref<72xi32, #tpu.memory_space<vmem>>) semaphore(%arg8 : memref<!tpu.dma_semaphore, #tpu.memory_space<semaphore_mem>>)
      } else {
      }
      %dma_wait3A_185 = arith.constant 0 : i32
      %dma_wait3A_186 = arith.constant 1 : i32
      %dma_wait3A_187 = arith.constant 0 : i32
      %dma_wait3A_188 = arith.constant 0 : i32
      %dma_wait3A_189 = tpu.memref_slice %arg6[%dma_wait3A_186, %dma_wait3A_187, %dma_wait3A_188] : memref<4x200x64xf32, #tpu.memory_space<vmem>> -> memref<1x200x64xf32, #tpu.memory_space<vmem>>
      %dma_wait3A_190 = tpu.memref_squeeze %dma_wait3A_189 : memref<1x200x64xf32, #tpu.memory_space<vmem>> -> memref<200x64xf32, #tpu.memory_space<vmem>>
      %dma_wait3A_191 = arith.constant 0 : i32
      %dma_wait3A_192 = arith.constant 0 : i32
      %dma_wait3A_193 = tpu.memref_slice %dma_wait3A_190[%dma_wait3A_191, %dma_wait3A_192] : memref<200x64xf32, #tpu.memory_space<vmem>> -> memref<128x64xf32, #tpu.memory_space<vmem>>
      %dma_wait3A_194 = arith.constant 0 : i32
      %dma_wait3A_195 = tpu.memref_slice %arg5[%dma_wait3A_185, %dma_wait3A_194] : memref<128x200xi32, #tpu.memory_space<vmem>> -> memref<1x128xi32, #tpu.memory_space<vmem>>
      %dma_wait3A_196 = tpu.memref_squeeze %dma_wait3A_195 : memref<1x128xi32, #tpu.memory_space<vmem>> -> memref<128xi32, #tpu.memory_space<vmem>>
      %dma_wait3A_197 = arith.constant 0 : i32
      %dma_wait3A_198 = arith.constant 0 : i32
      %dma_wait3A_199 = tpu.memref_slice %arg3[%dma_wait3A_197, %dma_wait3A_198] : memref<1000000x64xf32, #tpu.memory_space<hbm>> -> memref<1000000x64xf32, #tpu.memory_space<hbm>>
      tpu.wait_indirect_dma semaphore(%arg9 : memref<!tpu.dma_semaphore, #tpu.memory_space<semaphore_mem>>) src(%dma_wait3A_199 : memref<1000000x64xf32, #tpu.memory_space<hbm>>) dst(%dma_wait3A_193 : memref<128x64xf32, #tpu.memory_space<vmem>>)
      %dma_wait3A_200 = arith.constant 0 : i32
      %dma_wait3A_201 = arith.constant 1 : i32
      %dma_wait3A_202 = arith.constant 0 : i32
      %dma_wait3A_203 = arith.constant 0 : i32
      %dma_wait3A_204 = tpu.memref_slice %arg6[%dma_wait3A_201, %dma_wait3A_202, %dma_wait3A_203] : memref<4x200x64xf32, #tpu.memory_space<vmem>> -> memref<1x200x64xf32, #tpu.memory_space<vmem>>
      %dma_wait3A_205 = tpu.memref_squeeze %dma_wait3A_204 : memref<1x200x64xf32, #tpu.memory_space<vmem>> -> memref<200x64xf32, #tpu.memory_space<vmem>>
      %dma_wait3A_206 = arith.constant 128 : i32
      %dma_wait3A_207 = arith.constant 0 : i32
      %dma_wait3A_208 = tpu.memref_slice %dma_wait3A_205[%dma_wait3A_206, %dma_wait3A_207] : memref<200x64xf32, #tpu.memory_space<vmem>> -> memref<72x64xf32, #tpu.memory_space<vmem>>
      %dma_wait3A_209 = arith.constant 128 : i32
      %dma_wait3A_210 = tpu.memref_slice %arg5[%dma_wait3A_200, %dma_wait3A_209] : memref<128x200xi32, #tpu.memory_space<vmem>> -> memref<1x72xi32, #tpu.memory_space<vmem>>
      %dma_wait3A_211 = tpu.memref_squeeze %dma_wait3A_210 : memref<1x72xi32, #tpu.memory_space<vmem>> -> memref<72xi32, #tpu.memory_space<vmem>>
      %dma_wait3A_212 = arith.constant 0 : i32
      %dma_wait3A_213 = arith.constant 0 : i32
      %dma_wait3A_214 = tpu.memref_slice %arg3[%dma_wait3A_212, %dma_wait3A_213] : memref<1000000x64xf32, #tpu.memory_space<hbm>> -> memref<1000000x64xf32, #tpu.memory_space<hbm>>
      tpu.wait_indirect_dma semaphore(%arg9 : memref<!tpu.dma_semaphore, #tpu.memory_space<semaphore_mem>>) src(%dma_wait3A_214 : memref<1000000x64xf32, #tpu.memory_space<hbm>>) dst(%dma_wait3A_208 : memref<72x64xf32, #tpu.memory_space<vmem>>)
      %broadcast_in_dim3A_215 = arith.constant 0.000000e+00 : f32
      %broadcast_in_dim3A_216 = vector.broadcast %broadcast_in_dim3A_215 : f32 to vector<16xf32>
      %broadcast_in_dim3A_217 = arith.constant 0.000000e+00 : f32
      %broadcast_in_dim3A_218 = vector.broadcast %broadcast_in_dim3A_217 : f32 to vector<16xf32>
      %broadcast_in_dim3A_219 = arith.constant 0.000000e+00 : f32
      %broadcast_in_dim3A_220 = vector.broadcast %broadcast_in_dim3A_219 : f32 to vector<16xf32>
      %broadcast_in_dim3A_221 = arith.constant 0.000000e+00 : f32
      %broadcast_in_dim3A_222 = vector.broadcast %broadcast_in_dim3A_221 : f32 to vector<16xf32>
      %scan3A_223 = arith.constant 0 : i32
      %scan3A_224 = arith.constant 200 : i32
      %scan3A_225 = arith.addi %scan3A_223, %scan3A_224 : i32
      %scan3A_226 = arith.constant 4 : i32
      %scan3A_227:4 = scf.for %scan3A_404 = %scan3A_223 to %scan3A_225 step %scan3A_226 iter_args(%scan3A_405 = %broadcast_in_dim3A_216, %scan3A_406 = %broadcast_in_dim3A_218, %scan3A_407 = %broadcast_in_dim3A_220, %scan3A_408 = %broadcast_in_dim3A_222) -> (vector<16xf32>, vector<16xf32>, vector<16xf32>, vector<16xf32>)  : i32 {
        %get3A = arith.constant 1 : i32
        %get3A_409 = arith.index_cast %get3A : i32 to index
        %get3A_410 = arith.index_cast %scan3A_404 : i32 to index
        %get3A_411 = arith.constant 0 : index
        %get3A_412 = tpu.vector_load %arg6[%get3A_409, %get3A_410, %get3A_411] {strides = array<i32>} : memref<4x200x64xf32, #tpu.memory_space<vmem>>, vector<1x1x16xf32>,
        %get3A_413 = vector.shape_cast %get3A_412 : vector<1x1x16xf32> to vector<16xf32>
        %add3A_414 = arith.addf %scan3A_405, %get3A_413 : vector<16xf32>
        %get3A_415 = arith.constant 1 : i32
        %get3A_416 = arith.index_cast %get3A_415 : i32 to index
        %get3A_417 = arith.index_cast %scan3A_404 : i32 to index
        %get3A_418 = arith.constant 16 : index
        %get3A_419 = tpu.vector_load %arg6[%get3A_416, %get3A_417, %get3A_418] {strides = array<i32>} : memref<4x200x64xf32, #tpu.memory_space<vmem>>, vector<1x1x16xf32>,
        %get3A_420 = vector.shape_cast %get3A_419 : vector<1x1x16xf32> to vector<16xf32>
        %add3A_421 = arith.addf %scan3A_406, %get3A_420 : vector<16xf32>
        %get3A_422 = arith.constant 1 : i32
        %get3A_423 = arith.index_cast %get3A_422 : i32 to index
        %get3A_424 = arith.index_cast %scan3A_404 : i32 to index
        %get3A_425 = arith.constant 32 : index
        %get3A_426 = tpu.vector_load %arg6[%get3A_423, %get3A_424, %get3A_425] {strides = array<i32>} : memref<4x200x64xf32, #tpu.memory_space<vmem>>, vector<1x1x16xf32>,
        %get3A_427 = vector.shape_cast %get3A_426 : vector<1x1x16xf32> to vector<16xf32>
        %add3A_428 = arith.addf %scan3A_407, %get3A_427 : vector<16xf32>
        %get3A_429 = arith.constant 1 : i32
        %get3A_430 = arith.index_cast %get3A_429 : i32 to index
        %get3A_431 = arith.index_cast %scan3A_404 : i32 to index
        %get3A_432 = arith.constant 48 : index
        %get3A_433 = tpu.vector_load %arg6[%get3A_430, %get3A_431, %get3A_432] {strides = array<i32>} : memref<4x200x64xf32, #tpu.memory_space<vmem>>, vector<1x1x16xf32>,
        %get3A_434 = vector.shape_cast %get3A_433 : vector<1x1x16xf32> to vector<16xf32>
        %add3A_435 = arith.addf %scan3A_408, %get3A_434 : vector<16xf32>
        %scan3A_436 = arith.constant 1 : i32
        %scan3A_437 = arith.addi %scan3A_404, %scan3A_436 : i32
        %get3A_438 = arith.constant 1 : i32
        %get3A_439 = arith.index_cast %get3A_438 : i32 to index
        %get3A_440 = arith.index_cast %scan3A_437 : i32 to index
        %get3A_441 = arith.constant 0 : index
        %get3A_442 = tpu.vector_load %arg6[%get3A_439, %get3A_440, %get3A_441] {strides = array<i32>} : memref<4x200x64xf32, #tpu.memory_space<vmem>>, vector<1x1x16xf32>,
        %get3A_443 = vector.shape_cast %get3A_442 : vector<1x1x16xf32> to vector<16xf32>
        %add3A_444 = arith.addf %add3A_414, %get3A_443 : vector<16xf32>
        %get3A_445 = arith.constant 1 : i32
        %get3A_446 = arith.index_cast %get3A_445 : i32 to index
        %get3A_447 = arith.index_cast %scan3A_437 : i32 to index
        %get3A_448 = arith.constant 16 : index
        %get3A_449 = tpu.vector_load %arg6[%get3A_446, %get3A_447, %get3A_448] {strides = array<i32>} : memref<4x200x64xf32, #tpu.memory_space<vmem>>, vector<1x1x16xf32>,
        %get3A_450 = vector.shape_cast %get3A_449 : vector<1x1x16xf32> to vector<16xf32>
        %add3A_451 = arith.addf %add3A_421, %get3A_450 : vector<16xf32>
        %get3A_452 = arith.constant 1 : i32
        %get3A_453 = arith.index_cast %get3A_452 : i32 to index
        %get3A_454 = arith.index_cast %scan3A_437 : i32 to index
        %get3A_455 = arith.constant 32 : index
        %get3A_456 = tpu.vector_load %arg6[%get3A_453, %get3A_454, %get3A_455] {strides = array<i32>} : memref<4x200x64xf32, #tpu.memory_space<vmem>>, vector<1x1x16xf32>,
        %get3A_457 = vector.shape_cast %get3A_456 : vector<1x1x16xf32> to vector<16xf32>
        %add3A_458 = arith.addf %add3A_428, %get3A_457 : vector<16xf32>
        %get3A_459 = arith.constant 1 : i32
        %get3A_460 = arith.index_cast %get3A_459 : i32 to index
        %get3A_461 = arith.index_cast %scan3A_437 : i32 to index
        %get3A_462 = arith.constant 48 : index
        %get3A_463 = tpu.vector_load %arg6[%get3A_460, %get3A_461, %get3A_462] {strides = array<i32>} : memref<4x200x64xf32, #tpu.memory_space<vmem>>, vector<1x1x16xf32>,
        %get3A_464 = vector.shape_cast %get3A_463 : vector<1x1x16xf32> to vector<16xf32>
        %add3A_465 = arith.addf %add3A_435, %get3A_464 : vector<16xf32>
        %scan3A_466 = arith.constant 2 : i32
        %scan3A_467 = arith.addi %scan3A_404, %scan3A_466 : i32
        %get3A_468 = arith.constant 1 : i32
        %get3A_469 = arith.index_cast %get3A_468 : i32 to index
        %get3A_470 = arith.index_cast %scan3A_467 : i32 to index
        %get3A_471 = arith.constant 0 : index
        %get3A_472 = tpu.vector_load %arg6[%get3A_469, %get3A_470, %get3A_471] {strides = array<i32>} : memref<4x200x64xf32, #tpu.memory_space<vmem>>, vector<1x1x16xf32>,
        %get3A_473 = vector.shape_cast %get3A_472 : vector<1x1x16xf32> to vector<16xf32>
        %add3A_474 = arith.addf %add3A_444, %get3A_473 : vector<16xf32>
        %get3A_475 = arith.constant 1 : i32
        %get3A_476 = arith.index_cast %get3A_475 : i32 to index
        %get3A_477 = arith.index_cast %scan3A_467 : i32 to index
        %get3A_478 = arith.constant 16 : index
        %get3A_479 = tpu.vector_load %arg6[%get3A_476, %get3A_477, %get3A_478] {strides = array<i32>} : memref<4x200x64xf32, #tpu.memory_space<vmem>>, vector<1x1x16xf32>,
        %get3A_480 = vector.shape_cast %get3A_479 : vector<1x1x16xf32> to vector<16xf32>
        %add3A_481 = arith.addf %add3A_451, %get3A_480 : vector<16xf32>
        %get3A_482 = arith.constant 1 : i32
        %get3A_483 = arith.index_cast %get3A_482 : i32 to index
        %get3A_484 = arith.index_cast %scan3A_467 : i32 to index
        %get3A_485 = arith.constant 32 : index
        %get3A_486 = tpu.vector_load %arg6[%get3A_483, %get3A_484, %get3A_485] {strides = array<i32>} : memref<4x200x64xf32, #tpu.memory_space<vmem>>, vector<1x1x16xf32>,
        %get3A_487 = vector.shape_cast %get3A_486 : vector<1x1x16xf32> to vector<16xf32>
        %add3A_488 = arith.addf %add3A_458, %get3A_487 : vector<16xf32>
        %get3A_489 = arith.constant 1 : i32
        %get3A_490 = arith.index_cast %get3A_489 : i32 to index
        %get3A_491 = arith.index_cast %scan3A_467 : i32 to index
        %get3A_492 = arith.constant 48 : index
        %get3A_493 = tpu.vector_load %arg6[%get3A_490, %get3A_491, %get3A_492] {strides = array<i32>} : memref<4x200x64xf32, #tpu.memory_space<vmem>>, vector<1x1x16xf32>,
        %get3A_494 = vector.shape_cast %get3A_493 : vector<1x1x16xf32> to vector<16xf32>
        %add3A_495 = arith.addf %add3A_465, %get3A_494 : vector<16xf32>
        %scan3A_496 = arith.constant 3 : i32
        %scan3A_497 = arith.addi %scan3A_404, %scan3A_496 : i32
        %get3A_498 = arith.constant 1 : i32
        %get3A_499 = arith.index_cast %get3A_498 : i32 to index
        %get3A_500 = arith.index_cast %scan3A_497 : i32 to index
        %get3A_501 = arith.constant 0 : index
        %get3A_502 = tpu.vector_load %arg6[%get3A_499, %get3A_500, %get3A_501] {strides = array<i32>} : memref<4x200x64xf32, #tpu.memory_space<vmem>>, vector<1x1x16xf32>,
        %get3A_503 = vector.shape_cast %get3A_502 : vector<1x1x16xf32> to vector<16xf32>
        %add3A_504 = arith.addf %add3A_474, %get3A_503 : vector<16xf32>
        %get3A_505 = arith.constant 1 : i32
        %get3A_506 = arith.index_cast %get3A_505 : i32 to index
        %get3A_507 = arith.index_cast %scan3A_497 : i32 to index
        %get3A_508 = arith.constant 16 : index
        %get3A_509 = tpu.vector_load %arg6[%get3A_506, %get3A_507, %get3A_508] {strides = array<i32>} : memref<4x200x64xf32, #tpu.memory_space<vmem>>, vector<1x1x16xf32>,
        %get3A_510 = vector.shape_cast %get3A_509 : vector<1x1x16xf32> to vector<16xf32>
        %add3A_511 = arith.addf %add3A_481, %get3A_510 : vector<16xf32>
        %get3A_512 = arith.constant 1 : i32
        %get3A_513 = arith.index_cast %get3A_512 : i32 to index
        %get3A_514 = arith.index_cast %scan3A_497 : i32 to index
        %get3A_515 = arith.constant 32 : index
        %get3A_516 = tpu.vector_load %arg6[%get3A_513, %get3A_514, %get3A_515] {strides = array<i32>} : memref<4x200x64xf32, #tpu.memory_space<vmem>>, vector<1x1x16xf32>,
        %get3A_517 = vector.shape_cast %get3A_516 : vector<1x1x16xf32> to vector<16xf32>
        %add3A_518 = arith.addf %add3A_488, %get3A_517 : vector<16xf32>
        %get3A_519 = arith.constant 1 : i32
        %get3A_520 = arith.index_cast %get3A_519 : i32 to index
        %get3A_521 = arith.index_cast %scan3A_497 : i32 to index
        %get3A_522 = arith.constant 48 : index
        %get3A_523 = tpu.vector_load %arg6[%get3A_520, %get3A_521, %get3A_522] {strides = array<i32>} : memref<4x200x64xf32, #tpu.memory_space<vmem>>, vector<1x1x16xf32>,
        %get3A_524 = vector.shape_cast %get3A_523 : vector<1x1x16xf32> to vector<16xf32>
        %add3A_525 = arith.addf %add3A_495, %get3A_524 : vector<16xf32>
        scf.yield %add3A_504, %add3A_511, %add3A_518, %add3A_525 : vector<16xf32>, vector<16xf32>, vector<16xf32>, vector<16xf32>
      }
      %scan3A_228 = arith.constant 200 : i32
      %swap3A_229 = arith.index_cast %add3A_175 : i32 to index
      %swap3A_230 = arith.constant 0 : index
      %swap3A_231 = tpu.vector_load %arg7[%swap3A_229, %swap3A_230] {strides = array<i32>} : memref<128x64xf32, #tpu.memory_space<vmem>>, vector<1x16xf32>,
      %swap3A_232 = vector.shape_cast %swap3A_231 : vector<1x16xf32> to vector<16xf32>
      %swap3A_233 = vector.shape_cast %scan3A_227#0 : vector<16xf32> to vector<1x16xf32>
      tpu.vector_store %arg7[%swap3A_229, %swap3A_230], %swap3A_233 {strides = array<i32>} : memref<128x64xf32, #tpu.memory_space<vmem>>, vector<1x16xf32>,
      %swap3A_234 = arith.index_cast %add3A_175 : i32 to index
      %swap3A_235 = arith.constant 16 : index
      %swap3A_236 = tpu.vector_load %arg7[%swap3A_234, %swap3A_235] {strides = array<i32>} : memref<128x64xf32, #tpu.memory_space<vmem>>, vector<1x16xf32>,
      %swap3A_237 = vector.shape_cast %swap3A_236 : vector<1x16xf32> to vector<16xf32>
      %swap3A_238 = vector.shape_cast %scan3A_227#1 : vector<16xf32> to vector<1x16xf32>
      tpu.vector_store %arg7[%swap3A_234, %swap3A_235], %swap3A_238 {strides = array<i32>} : memref<128x64xf32, #tpu.memory_space<vmem>>, vector<1x16xf32>,
      %swap3A_239 = arith.index_cast %add3A_175 : i32 to index
      %swap3A_240 = arith.constant 32 : index
      %swap3A_241 = tpu.vector_load %arg7[%swap3A_239, %swap3A_240] {strides = array<i32>} : memref<128x64xf32, #tpu.memory_space<vmem>>, vector<1x16xf32>,
      %swap3A_242 = vector.shape_cast %swap3A_241 : vector<1x16xf32> to vector<16xf32>
      %swap3A_243 = vector.shape_cast %scan3A_227#2 : vector<16xf32> to vector<1x16xf32>
      tpu.vector_store %arg7[%swap3A_239, %swap3A_240], %swap3A_243 {strides = array<i32>} : memref<128x64xf32, #tpu.memory_space<vmem>>, vector<1x16xf32>,
      %swap3A_244 = arith.index_cast %add3A_175 : i32 to index
      %swap3A_245 = arith.constant 48 : index
      %swap3A_246 = tpu.vector_load %arg7[%swap3A_244, %swap3A_245] {strides = array<i32>} : memref<128x64xf32, #tpu.memory_space<vmem>>, vector<1x16xf32>,
      %swap3A_247 = vector.shape_cast %swap3A_246 : vector<1x16xf32> to vector<16xf32>
      %swap3A_248 = vector.shape_cast %scan3A_227#3 : vector<16xf32> to vector<1x16xf32>
      tpu.vector_store %arg7[%swap3A_244, %swap3A_245], %swap3A_248 {strides = array<i32>} : memref<128x64xf32, #tpu.memory_space<vmem>>, vector<1x16xf32>,
      %mul3A_249 = arith.constant 4 : i32
      %mul3A_250 = arith.muli %scan3A_100, %mul3A_249 : i32
      %add3A_251 = arith.constant 2 : i32
      %add3A_252 = arith.addi %mul3A_250, %add3A_251 : i32
      %add3A_253 = arith.constant 4 : i32
      %add3A_254 = arith.addi %add3A_252, %add3A_253 : i32
      %sub3A_255 = arith.constant 1 : i32
      %sub3A_256 = arith.subi %add3A_254, %sub3A_255 : i32
      %lt3A_257 = arith.constant 128 : i32
      %lt3A_258 = arith.cmpi slt, %sub3A_256, %lt3A_257 : i32
      %convert_element_type3A_259 = arith.extui %lt3A_258 : i1 to i32
      %cond3A_260 = arith.constant 0 : i32
      %cond3A_261 = arith.cmpi ne, %convert_element_type3A_259, %cond3A_260 : i32
      scf.if %cond3A_261 {
        %add3A_404 = arith.constant 4 : i32
        %add3A_405 = arith.addi %add3A_252, %add3A_404 : i32
        %sub3A_406 = arith.constant 1 : i32
        %sub3A_407 = arith.subi %add3A_405, %sub3A_406 : i32
        %dma_start3A_408 = arith.constant 1 : i32
        %dma_start3A_409 = arith.constant 0 : i32
        %dma_start3A_410 = arith.constant 0 : i32
        %dma_start3A_411 = tpu.memref_slice %arg6[%dma_start3A_408, %dma_start3A_409, %dma_start3A_410] : memref<4x200x64xf32, #tpu.memory_space<vmem>> -> memref<1x200x64xf32, #tpu.memory_space<vmem>>
        %dma_start3A_412 = tpu.memref_squeeze %dma_start3A_411 : memref<1x200x64xf32, #tpu.memory_space<vmem>> -> memref<200x64xf32, #tpu.memory_space<vmem>>
        %dma_start3A_413 = arith.constant 0 : i32
        %dma_start3A_414 = arith.constant 0 : i32
        %dma_start3A_415 = tpu.memref_slice %dma_start3A_412[%dma_start3A_413, %dma_start3A_414] : memref<200x64xf32, #tpu.memory_space<vmem>> -> memref<128x64xf32, #tpu.memory_space<vmem>>
        %dma_start3A_416 = arith.constant 0 : i32
        %dma_start3A_417 = tpu.memref_slice %arg5[%sub3A_407, %dma_start3A_416] : memref<128x200xi32, #tpu.memory_space<vmem>> -> memref<1x128xi32, #tpu.memory_space<vmem>>
        %dma_start3A_418 = tpu.memref_squeeze %dma_start3A_417 : memref<1x128xi32, #tpu.memory_space<vmem>> -> memref<128xi32, #tpu.memory_space<vmem>>
        %dma_start3A_419 = arith.constant 0 : i32
        %dma_start3A_420 = arith.constant 0 : i32
        %dma_start3A_421 = tpu.memref_slice %arg3[%dma_start3A_419, %dma_start3A_420] : memref<1000000x64xf32, #tpu.memory_space<hbm>> -> memref<1000000x64xf32, #tpu.memory_space<hbm>>
        tpu.enqueue_indirect_dma source(%dma_start3A_421 : memref<1000000x64xf32, #tpu.memory_space<hbm>>) target(%dma_start3A_415 : memref<128x64xf32, #tpu.memory_space<vmem>>) offsets(%dma_start3A_418 : memref<128xi32, #tpu.memory_space<vmem>>) semaphore(%arg9 : memref<!tpu.dma_semaphore, #tpu.memory_space<semaphore_mem>>)
        %dma_start3A_422 = arith.constant 1 : i32
        %dma_start3A_423 = arith.constant 0 : i32
        %dma_start3A_424 = arith.constant 0 : i32
        %dma_start3A_425 = tpu.memref_slice %arg6[%dma_start3A_422, %dma_start3A_423, %dma_start3A_424] : memref<4x200x64xf32, #tpu.memory_space<vmem>> -> memref<1x200x64xf32, #tpu.memory_space<vmem>>
        %dma_start3A_426 = tpu.memref_squeeze %dma_start3A_425 : memref<1x200x64xf32, #tpu.memory_space<vmem>> -> memref<200x64xf32, #tpu.memory_space<vmem>>
        %dma_start3A_427 = arith.constant 128 : i32
        %dma_start3A_428 = arith.constant 0 : i32
        %dma_start3A_429 = tpu.memref_slice %dma_start3A_426[%dma_start3A_427, %dma_start3A_428] : memref<200x64xf32, #tpu.memory_space<vmem>> -> memref<72x64xf32, #tpu.memory_space<vmem>>
        %dma_start3A_430 = arith.constant 128 : i32
        %dma_start3A_431 = tpu.memref_slice %arg5[%sub3A_407, %dma_start3A_430] : memref<128x200xi32, #tpu.memory_space<vmem>> -> memref<1x72xi32, #tpu.memory_space<vmem>>
        %dma_start3A_432 = tpu.memref_squeeze %dma_start3A_431 : memref<1x72xi32, #tpu.memory_space<vmem>> -> memref<72xi32, #tpu.memory_space<vmem>>
        %dma_start3A_433 = arith.constant 0 : i32
        %dma_start3A_434 = arith.constant 0 : i32
        %dma_start3A_435 = tpu.memref_slice %arg3[%dma_start3A_433, %dma_start3A_434] : memref<1000000x64xf32, #tpu.memory_space<hbm>> -> memref<1000000x64xf32, #tpu.memory_space<hbm>>
        tpu.enqueue_indirect_dma source(%dma_start3A_435 : memref<1000000x64xf32, #tpu.memory_space<hbm>>) target(%dma_start3A_429 : memref<72x64xf32, #tpu.memory_space<vmem>>) offsets(%dma_start3A_432 : memref<72xi32, #tpu.memory_space<vmem>>) semaphore(%arg9 : memref<!tpu.dma_semaphore, #tpu.memory_space<semaphore_mem>>)
      } else {
      }
      %dma_wait3A_262 = arith.constant 0 : i32
      %dma_wait3A_263 = arith.constant 2 : i32
      %dma_wait3A_264 = arith.constant 0 : i32
      %dma_wait3A_265 = arith.constant 0 : i32
      %dma_wait3A_266 = tpu.memref_slice %arg6[%dma_wait3A_263, %dma_wait3A_264, %dma_wait3A_265] : memref<4x200x64xf32, #tpu.memory_space<vmem>> -> memref<1x200x64xf32, #tpu.memory_space<vmem>>
      %dma_wait3A_267 = tpu.memref_squeeze %dma_wait3A_266 : memref<1x200x64xf32, #tpu.memory_space<vmem>> -> memref<200x64xf32, #tpu.memory_space<vmem>>
      %dma_wait3A_268 = arith.constant 0 : i32
      %dma_wait3A_269 = arith.constant 0 : i32
      %dma_wait3A_270 = tpu.memref_slice %dma_wait3A_267[%dma_wait3A_268, %dma_wait3A_269] : memref<200x64xf32, #tpu.memory_space<vmem>> -> memref<128x64xf32, #tpu.memory_space<vmem>>
      %dma_wait3A_271 = arith.constant 0 : i32
      %dma_wait3A_272 = tpu.memref_slice %arg5[%dma_wait3A_262, %dma_wait3A_271] : memref<128x200xi32, #tpu.memory_space<vmem>> -> memref<1x128xi32, #tpu.memory_space<vmem>>
      %dma_wait3A_273 = tpu.memref_squeeze %dma_wait3A_272 : memref<1x128xi32, #tpu.memory_space<vmem>> -> memref<128xi32, #tpu.memory_space<vmem>>
      %dma_wait3A_274 = arith.constant 0 : i32
      %dma_wait3A_275 = arith.constant 0 : i32
      %dma_wait3A_276 = tpu.memref_slice %arg3[%dma_wait3A_274, %dma_wait3A_275] : memref<1000000x64xf32, #tpu.memory_space<hbm>> -> memref<1000000x64xf32, #tpu.memory_space<hbm>>
      tpu.wait_indirect_dma semaphore(%arg10 : memref<!tpu.dma_semaphore, #tpu.memory_space<semaphore_mem>>) src(%dma_wait3A_276 : memref<1000000x64xf32, #tpu.memory_space<hbm>>) dst(%dma_wait3A_270 : memref<128x64xf32, #tpu.memory_space<vmem>>)
      %dma_wait3A_277 = arith.constant 0 : i32
      %dma_wait3A_278 = arith.constant 2 : i32
      %dma_wait3A_279 = arith.constant 0 : i32
      %dma_wait3A_280 = arith.constant 0 : i32
      %dma_wait3A_281 = tpu.memref_slice %arg6[%dma_wait3A_278, %dma_wait3A_279, %dma_wait3A_280] : memref<4x200x64xf32, #tpu.memory_space<vmem>> -> memref<1x200x64xf32, #tpu.memory_space<vmem>>
      %dma_wait3A_282 = tpu.memref_squeeze %dma_wait3A_281 : memref<1x200x64xf32, #tpu.memory_space<vmem>> -> memref<200x64xf32, #tpu.memory_space<vmem>>
      %dma_wait3A_283 = arith.constant 128 : i32
      %dma_wait3A_284 = arith.constant 0 : i32
      %dma_wait3A_285 = tpu.memref_slice %dma_wait3A_282[%dma_wait3A_283, %dma_wait3A_284] : memref<200x64xf32, #tpu.memory_space<vmem>> -> memref<72x64xf32, #tpu.memory_space<vmem>>
      %dma_wait3A_286 = arith.constant 128 : i32
      %dma_wait3A_287 = tpu.memref_slice %arg5[%dma_wait3A_277, %dma_wait3A_286] : memref<128x200xi32, #tpu.memory_space<vmem>> -> memref<1x72xi32, #tpu.memory_space<vmem>>
      %dma_wait3A_288 = tpu.memref_squeeze %dma_wait3A_287 : memref<1x72xi32, #tpu.memory_space<vmem>> -> memref<72xi32, #tpu.memory_space<vmem>>
      %dma_wait3A_289 = arith.constant 0 : i32
      %dma_wait3A_290 = arith.constant 0 : i32
      %dma_wait3A_291 = tpu.memref_slice %arg3[%dma_wait3A_289, %dma_wait3A_290] : memref<1000000x64xf32, #tpu.memory_space<hbm>> -> memref<1000000x64xf32, #tpu.memory_space<hbm>>
      tpu.wait_indirect_dma semaphore(%arg10 : memref<!tpu.dma_semaphore, #tpu.memory_space<semaphore_mem>>) src(%dma_wait3A_291 : memref<1000000x64xf32, #tpu.memory_space<hbm>>) dst(%dma_wait3A_285 : memref<72x64xf32, #tpu.memory_space<vmem>>)
      %broadcast_in_dim3A_292 = arith.constant 0.000000e+00 : f32
      %broadcast_in_dim3A_293 = vector.broadcast %broadcast_in_dim3A_292 : f32 to vector<16xf32>
      %broadcast_in_dim3A_294 = arith.constant 0.000000e+00 : f32
      %broadcast_in_dim3A_295 = vector.broadcast %broadcast_in_dim3A_294 : f32 to vector<16xf32>
      %broadcast_in_dim3A_296 = arith.constant 0.000000e+00 : f32
      %broadcast_in_dim3A_297 = vector.broadcast %broadcast_in_dim3A_296 : f32 to vector<16xf32>
      %broadcast_in_dim3A_298 = arith.constant 0.000000e+00 : f32
      %broadcast_in_dim3A_299 = vector.broadcast %broadcast_in_dim3A_298 : f32 to vector<16xf32>
      %scan3A_300 = arith.constant 0 : i32
      %scan3A_301 = arith.constant 200 : i32
      %scan3A_302 = arith.addi %scan3A_300, %scan3A_301 : i32
      %scan3A_303 = arith.constant 4 : i32
      %scan3A_304:4 = scf.for %scan3A_404 = %scan3A_300 to %scan3A_302 step %scan3A_303 iter_args(%scan3A_405 = %broadcast_in_dim3A_293, %scan3A_406 = %broadcast_in_dim3A_295, %scan3A_407 = %broadcast_in_dim3A_297, %scan3A_408 = %broadcast_in_dim3A_299) -> (vector<16xf32>, vector<16xf32>, vector<16xf32>, vector<16xf32>)  : i32 {
        %get3A = arith.constant 2 : i32
        %get3A_409 = arith.index_cast %get3A : i32 to index
        %get3A_410 = arith.index_cast %scan3A_404 : i32 to index
        %get3A_411 = arith.constant 0 : index
        %get3A_412 = tpu.vector_load %arg6[%get3A_409, %get3A_410, %get3A_411] {strides = array<i32>} : memref<4x200x64xf32, #tpu.memory_space<vmem>>, vector<1x1x16xf32>,
        %get3A_413 = vector.shape_cast %get3A_412 : vector<1x1x16xf32> to vector<16xf32>
        %add3A_414 = arith.addf %scan3A_405, %get3A_413 : vector<16xf32>
        %get3A_415 = arith.constant 2 : i32
        %get3A_416 = arith.index_cast %get3A_415 : i32 to index
        %get3A_417 = arith.index_cast %scan3A_404 : i32 to index
        %get3A_418 = arith.constant 16 : index
        %get3A_419 = tpu.vector_load %arg6[%get3A_416, %get3A_417, %get3A_418] {strides = array<i32>} : memref<4x200x64xf32, #tpu.memory_space<vmem>>, vector<1x1x16xf32>,
        %get3A_420 = vector.shape_cast %get3A_419 : vector<1x1x16xf32> to vector<16xf32>
        %add3A_421 = arith.addf %scan3A_406, %get3A_420 : vector<16xf32>
        %get3A_422 = arith.constant 2 : i32
        %get3A_423 = arith.index_cast %get3A_422 : i32 to index
        %get3A_424 = arith.index_cast %scan3A_404 : i32 to index
        %get3A_425 = arith.constant 32 : index
        %get3A_426 = tpu.vector_load %arg6[%get3A_423, %get3A_424, %get3A_425] {strides = array<i32>} : memref<4x200x64xf32, #tpu.memory_space<vmem>>, vector<1x1x16xf32>,
        %get3A_427 = vector.shape_cast %get3A_426 : vector<1x1x16xf32> to vector<16xf32>
        %add3A_428 = arith.addf %scan3A_407, %get3A_427 : vector<16xf32>
        %get3A_429 = arith.constant 2 : i32
        %get3A_430 = arith.index_cast %get3A_429 : i32 to index
        %get3A_431 = arith.index_cast %scan3A_404 : i32 to index
        %get3A_432 = arith.constant 48 : index
        %get3A_433 = tpu.vector_load %arg6[%get3A_430, %get3A_431, %get3A_432] {strides = array<i32>} : memref<4x200x64xf32, #tpu.memory_space<vmem>>, vector<1x1x16xf32>,
        %get3A_434 = vector.shape_cast %get3A_433 : vector<1x1x16xf32> to vector<16xf32>
        %add3A_435 = arith.addf %scan3A_408, %get3A_434 : vector<16xf32>
        %scan3A_436 = arith.constant 1 : i32
        %scan3A_437 = arith.addi %scan3A_404, %scan3A_436 : i32
        %get3A_438 = arith.constant 2 : i32
        %get3A_439 = arith.index_cast %get3A_438 : i32 to index
        %get3A_440 = arith.index_cast %scan3A_437 : i32 to index
        %get3A_441 = arith.constant 0 : index
        %get3A_442 = tpu.vector_load %arg6[%get3A_439, %get3A_440, %get3A_441] {strides = array<i32>} : memref<4x200x64xf32, #tpu.memory_space<vmem>>, vector<1x1x16xf32>,
        %get3A_443 = vector.shape_cast %get3A_442 : vector<1x1x16xf32> to vector<16xf32>
        %add3A_444 = arith.addf %add3A_414, %get3A_443 : vector<16xf32>
        %get3A_445 = arith.constant 2 : i32
        %get3A_446 = arith.index_cast %get3A_445 : i32 to index
        %get3A_447 = arith.index_cast %scan3A_437 : i32 to index
        %get3A_448 = arith.constant 16 : index
        %get3A_449 = tpu.vector_load %arg6[%get3A_446, %get3A_447, %get3A_448] {strides = array<i32>} : memref<4x200x64xf32, #tpu.memory_space<vmem>>, vector<1x1x16xf32>,
        %get3A_450 = vector.shape_cast %get3A_449 : vector<1x1x16xf32> to vector<16xf32>
        %add3A_451 = arith.addf %add3A_421, %get3A_450 : vector<16xf32>
        %get3A_452 = arith.constant 2 : i32
        %get3A_453 = arith.index_cast %get3A_452 : i32 to index
        %get3A_454 = arith.index_cast %scan3A_437 : i32 to index
        %get3A_455 = arith.constant 32 : index
        %get3A_456 = tpu.vector_load %arg6[%get3A_453, %get3A_454, %get3A_455] {strides = array<i32>} : memref<4x200x64xf32, #tpu.memory_space<vmem>>, vector<1x1x16xf32>,
        %get3A_457 = vector.shape_cast %get3A_456 : vector<1x1x16xf32> to vector<16xf32>
        %add3A_458 = arith.addf %add3A_428, %get3A_457 : vector<16xf32>
        %get3A_459 = arith.constant 2 : i32
        %get3A_460 = arith.index_cast %get3A_459 : i32 to index
        %get3A_461 = arith.index_cast %scan3A_437 : i32 to index
        %get3A_462 = arith.constant 48 : index
        %get3A_463 = tpu.vector_load %arg6[%get3A_460, %get3A_461, %get3A_462] {strides = array<i32>} : memref<4x200x64xf32, #tpu.memory_space<vmem>>, vector<1x1x16xf32>,
        %get3A_464 = vector.shape_cast %get3A_463 : vector<1x1x16xf32> to vector<16xf32>
        %add3A_465 = arith.addf %add3A_435, %get3A_464 : vector<16xf32>
        %scan3A_466 = arith.constant 2 : i32
        %scan3A_467 = arith.addi %scan3A_404, %scan3A_466 : i32
        %get3A_468 = arith.constant 2 : i32
        %get3A_469 = arith.index_cast %get3A_468 : i32 to index
        %get3A_470 = arith.index_cast %scan3A_467 : i32 to index
        %get3A_471 = arith.constant 0 : index
        %get3A_472 = tpu.vector_load %arg6[%get3A_469, %get3A_470, %get3A_471] {strides = array<i32>} : memref<4x200x64xf32, #tpu.memory_space<vmem>>, vector<1x1x16xf32>,
        %get3A_473 = vector.shape_cast %get3A_472 : vector<1x1x16xf32> to vector<16xf32>
        %add3A_474 = arith.addf %add3A_444, %get3A_473 : vector<16xf32>
        %get3A_475 = arith.constant 2 : i32
        %get3A_476 = arith.index_cast %get3A_475 : i32 to index
        %get3A_477 = arith.index_cast %scan3A_467 : i32 to index
        %get3A_478 = arith.constant 16 : index
        %get3A_479 = tpu.vector_load %arg6[%get3A_476, %get3A_477, %get3A_478] {strides = array<i32>} : memref<4x200x64xf32, #tpu.memory_space<vmem>>, vector<1x1x16xf32>,
        %get3A_480 = vector.shape_cast %get3A_479 : vector<1x1x16xf32> to vector<16xf32>
        %add3A_481 = arith.addf %add3A_451, %get3A_480 : vector<16xf32>
        %get3A_482 = arith.constant 2 : i32
        %get3A_483 = arith.index_cast %get3A_482 : i32 to index
        %get3A_484 = arith.index_cast %scan3A_467 : i32 to index
        %get3A_485 = arith.constant 32 : index
        %get3A_486 = tpu.vector_load %arg6[%get3A_483, %get3A_484, %get3A_485] {strides = array<i32>} : memref<4x200x64xf32, #tpu.memory_space<vmem>>, vector<1x1x16xf32>,
        %get3A_487 = vector.shape_cast %get3A_486 : vector<1x1x16xf32> to vector<16xf32>
        %add3A_488 = arith.addf %add3A_458, %get3A_487 : vector<16xf32>
        %get3A_489 = arith.constant 2 : i32
        %get3A_490 = arith.index_cast %get3A_489 : i32 to index
        %get3A_491 = arith.index_cast %scan3A_467 : i32 to index
        %get3A_492 = arith.constant 48 : index
        %get3A_493 = tpu.vector_load %arg6[%get3A_490, %get3A_491, %get3A_492] {strides = array<i32>} : memref<4x200x64xf32, #tpu.memory_space<vmem>>, vector<1x1x16xf32>,
        %get3A_494 = vector.shape_cast %get3A_493 : vector<1x1x16xf32> to vector<16xf32>
        %add3A_495 = arith.addf %add3A_465, %get3A_494 : vector<16xf32>
        %scan3A_496 = arith.constant 3 : i32
        %scan3A_497 = arith.addi %scan3A_404, %scan3A_496 : i32
        %get3A_498 = arith.constant 2 : i32
        %get3A_499 = arith.index_cast %get3A_498 : i32 to index
        %get3A_500 = arith.index_cast %scan3A_497 : i32 to index
        %get3A_501 = arith.constant 0 : index
        %get3A_502 = tpu.vector_load %arg6[%get3A_499, %get3A_500, %get3A_501] {strides = array<i32>} : memref<4x200x64xf32, #tpu.memory_space<vmem>>, vector<1x1x16xf32>,
        %get3A_503 = vector.shape_cast %get3A_502 : vector<1x1x16xf32> to vector<16xf32>
        %add3A_504 = arith.addf %add3A_474, %get3A_503 : vector<16xf32>
        %get3A_505 = arith.constant 2 : i32
        %get3A_506 = arith.index_cast %get3A_505 : i32 to index
        %get3A_507 = arith.index_cast %scan3A_497 : i32 to index
        %get3A_508 = arith.constant 16 : index
        %get3A_509 = tpu.vector_load %arg6[%get3A_506, %get3A_507, %get3A_508] {strides = array<i32>} : memref<4x200x64xf32, #tpu.memory_space<vmem>>, vector<1x1x16xf32>,
        %get3A_510 = vector.shape_cast %get3A_509 : vector<1x1x16xf32> to vector<16xf32>
        %add3A_511 = arith.addf %add3A_481, %get3A_510 : vector<16xf32>
        %get3A_512 = arith.constant 2 : i32
        %get3A_513 = arith.index_cast %get3A_512 : i32 to index
        %get3A_514 = arith.index_cast %scan3A_497 : i32 to index
        %get3A_515 = arith.constant 32 : index
        %get3A_516 = tpu.vector_load %arg6[%get3A_513, %get3A_514, %get3A_515] {strides = array<i32>} : memref<4x200x64xf32, #tpu.memory_space<vmem>>, vector<1x1x16xf32>,
        %get3A_517 = vector.shape_cast %get3A_516 : vector<1x1x16xf32> to vector<16xf32>
        %add3A_518 = arith.addf %add3A_488, %get3A_517 : vector<16xf32>
        %get3A_519 = arith.constant 2 : i32
        %get3A_520 = arith.index_cast %get3A_519 : i32 to index
        %get3A_521 = arith.index_cast %scan3A_497 : i32 to index
        %get3A_522 = arith.constant 48 : index
        %get3A_523 = tpu.vector_load %arg6[%get3A_520, %get3A_521, %get3A_522] {strides = array<i32>} : memref<4x200x64xf32, #tpu.memory_space<vmem>>, vector<1x1x16xf32>,
        %get3A_524 = vector.shape_cast %get3A_523 : vector<1x1x16xf32> to vector<16xf32>
        %add3A_525 = arith.addf %add3A_495, %get3A_524 : vector<16xf32>
        scf.yield %add3A_504, %add3A_511, %add3A_518, %add3A_525 : vector<16xf32>, vector<16xf32>, vector<16xf32>, vector<16xf32>
      }
      %scan3A_305 = arith.constant 200 : i32
      %swap3A_306 = arith.index_cast %add3A_252 : i32 to index
      %swap3A_307 = arith.constant 0 : index
      %swap3A_308 = tpu.vector_load %arg7[%swap3A_306, %swap3A_307] {strides = array<i32>} : memref<128x64xf32, #tpu.memory_space<vmem>>, vector<1x16xf32>,
      %swap3A_309 = vector.shape_cast %swap3A_308 : vector<1x16xf32> to vector<16xf32>
      %swap3A_310 = vector.shape_cast %scan3A_304#0 : vector<16xf32> to vector<1x16xf32>
      tpu.vector_store %arg7[%swap3A_306, %swap3A_307], %swap3A_310 {strides = array<i32>} : memref<128x64xf32, #tpu.memory_space<vmem>>, vector<1x16xf32>,
      %swap3A_311 = arith.index_cast %add3A_252 : i32 to index
      %swap3A_312 = arith.constant 16 : index
      %swap3A_313 = tpu.vector_load %arg7[%swap3A_311, %swap3A_312] {strides = array<i32>} : memref<128x64xf32, #tpu.memory_space<vmem>>, vector<1x16xf32>,
      %swap3A_314 = vector.shape_cast %swap3A_313 : vector<1x16xf32> to vector<16xf32>
      %swap3A_315 = vector.shape_cast %scan3A_304#1 : vector<16xf32> to vector<1x16xf32>
      tpu.vector_store %arg7[%swap3A_311, %swap3A_312], %swap3A_315 {strides = array<i32>} : memref<128x64xf32, #tpu.memory_space<vmem>>, vector<1x16xf32>,
      %swap3A_316 = arith.index_cast %add3A_252 : i32 to index
      %swap3A_317 = arith.constant 32 : index
      %swap3A_318 = tpu.vector_load %arg7[%swap3A_316, %swap3A_317] {strides = array<i32>} : memref<128x64xf32, #tpu.memory_space<vmem>>, vector<1x16xf32>,
      %swap3A_319 = vector.shape_cast %swap3A_318 : vector<1x16xf32> to vector<16xf32>
      %swap3A_320 = vector.shape_cast %scan3A_304#2 : vector<16xf32> to vector<1x16xf32>
      tpu.vector_store %arg7[%swap3A_316, %swap3A_317], %swap3A_320 {strides = array<i32>} : memref<128x64xf32, #tpu.memory_space<vmem>>, vector<1x16xf32>,
      %swap3A_321 = arith.index_cast %add3A_252 : i32 to index
      %swap3A_322 = arith.constant 48 : index
      %swap3A_323 = tpu.vector_load %arg7[%swap3A_321, %swap3A_322] {strides = array<i32>} : memref<128x64xf32, #tpu.memory_space<vmem>>, vector<1x16xf32>,
      %swap3A_324 = vector.shape_cast %swap3A_323 : vector<1x16xf32> to vector<16xf32>
      %swap3A_325 = vector.shape_cast %scan3A_304#3 : vector<16xf32> to vector<1x16xf32>
      tpu.vector_store %arg7[%swap3A_321, %swap3A_322], %swap3A_325 {strides = array<i32>} : memref<128x64xf32, #tpu.memory_space<vmem>>, vector<1x16xf32>,
      %mul3A_326 = arith.constant 4 : i32
      %mul3A_327 = arith.muli %scan3A_100, %mul3A_326 : i32
      %add3A_328 = arith.constant 3 : i32
      %add3A_329 = arith.addi %mul3A_327, %add3A_328 : i32
      %add3A_330 = arith.constant 4 : i32
      %add3A_331 = arith.addi %add3A_329, %add3A_330 : i32
      %sub3A_332 = arith.constant 1 : i32
      %sub3A_333 = arith.subi %add3A_331, %sub3A_332 : i32
      %lt3A_334 = arith.constant 128 : i32
      %lt3A_335 = arith.cmpi slt, %sub3A_333, %lt3A_334 : i32
      %convert_element_type3A_336 = arith.extui %lt3A_335 : i1 to i32
      %cond3A_337 = arith.constant 0 : i32
      %cond3A_338 = arith.cmpi ne, %convert_element_type3A_336, %cond3A_337 : i32
      scf.if %cond3A_338 {
        %add3A_404 = arith.constant 4 : i32
        %add3A_405 = arith.addi %add3A_329, %add3A_404 : i32
        %sub3A_406 = arith.constant 1 : i32
        %sub3A_407 = arith.subi %add3A_405, %sub3A_406 : i32
        %dma_start3A_408 = arith.constant 2 : i32
        %dma_start3A_409 = arith.constant 0 : i32
        %dma_start3A_410 = arith.constant 0 : i32
        %dma_start3A_411 = tpu.memref_slice %arg6[%dma_start3A_408, %dma_start3A_409, %dma_start3A_410] : memref<4x200x64xf32, #tpu.memory_space<vmem>> -> memref<1x200x64xf32, #tpu.memory_space<vmem>>
        %dma_start3A_412 = tpu.memref_squeeze %dma_start3A_411 : memref<1x200x64xf32, #tpu.memory_space<vmem>> -> memref<200x64xf32, #tpu.memory_space<vmem>>
        %dma_start3A_413 = arith.constant 0 : i32
        %dma_start3A_414 = arith.constant 0 : i32
        %dma_start3A_415 = tpu.memref_slice %dma_start3A_412[%dma_start3A_413, %dma_start3A_414] : memref<200x64xf32, #tpu.memory_space<vmem>> -> memref<128x64xf32, #tpu.memory_space<vmem>>
        %dma_start3A_416 = arith.constant 0 : i32
        %dma_start3A_417 = tpu.memref_slice %arg5[%sub3A_407, %dma_start3A_416] : memref<128x200xi32, #tpu.memory_space<vmem>> -> memref<1x128xi32, #tpu.memory_space<vmem>>
        %dma_start3A_418 = tpu.memref_squeeze %dma_start3A_417 : memref<1x128xi32, #tpu.memory_space<vmem>> -> memref<128xi32, #tpu.memory_space<vmem>>
        %dma_start3A_419 = arith.constant 0 : i32
        %dma_start3A_420 = arith.constant 0 : i32
        %dma_start3A_421 = tpu.memref_slice %arg3[%dma_start3A_419, %dma_start3A_420] : memref<1000000x64xf32, #tpu.memory_space<hbm>> -> memref<1000000x64xf32, #tpu.memory_space<hbm>>
        tpu.enqueue_indirect_dma source(%dma_start3A_421 : memref<1000000x64xf32, #tpu.memory_space<hbm>>) target(%dma_start3A_415 : memref<128x64xf32, #tpu.memory_space<vmem>>) offsets(%dma_start3A_418 : memref<128xi32, #tpu.memory_space<vmem>>) semaphore(%arg10 : memref<!tpu.dma_semaphore, #tpu.memory_space<semaphore_mem>>)
        %dma_start3A_422 = arith.constant 2 : i32
        %dma_start3A_423 = arith.constant 0 : i32
        %dma_start3A_424 = arith.constant 0 : i32
        %dma_start3A_425 = tpu.memref_slice %arg6[%dma_start3A_422, %dma_start3A_423, %dma_start3A_424] : memref<4x200x64xf32, #tpu.memory_space<vmem>> -> memref<1x200x64xf32, #tpu.memory_space<vmem>>
        %dma_start3A_426 = tpu.memref_squeeze %dma_start3A_425 : memref<1x200x64xf32, #tpu.memory_space<vmem>> -> memref<200x64xf32, #tpu.memory_space<vmem>>
        %dma_start3A_427 = arith.constant 128 : i32
        %dma_start3A_428 = arith.constant 0 : i32
        %dma_start3A_429 = tpu.memref_slice %dma_start3A_426[%dma_start3A_427, %dma_start3A_428] : memref<200x64xf32, #tpu.memory_space<vmem>> -> memref<72x64xf32, #tpu.memory_space<vmem>>
        %dma_start3A_430 = arith.constant 128 : i32
        %dma_start3A_431 = tpu.memref_slice %arg5[%sub3A_407, %dma_start3A_430] : memref<128x200xi32, #tpu.memory_space<vmem>> -> memref<1x72xi32, #tpu.memory_space<vmem>>
        %dma_start3A_432 = tpu.memref_squeeze %dma_start3A_431 : memref<1x72xi32, #tpu.memory_space<vmem>> -> memref<72xi32, #tpu.memory_space<vmem>>
        %dma_start3A_433 = arith.constant 0 : i32
        %dma_start3A_434 = arith.constant 0 : i32
        %dma_start3A_435 = tpu.memref_slice %arg3[%dma_start3A_433, %dma_start3A_434] : memref<1000000x64xf32, #tpu.memory_space<hbm>> -> memref<1000000x64xf32, #tpu.memory_space<hbm>>
        tpu.enqueue_indirect_dma source(%dma_start3A_435 : memref<1000000x64xf32, #tpu.memory_space<hbm>>) target(%dma_start3A_429 : memref<72x64xf32, #tpu.memory_space<vmem>>) offsets(%dma_start3A_432 : memref<72xi32, #tpu.memory_space<vmem>>) semaphore(%arg10 : memref<!tpu.dma_semaphore, #tpu.memory_space<semaphore_mem>>)
      } else {
      }
      %dma_wait3A_339 = arith.constant 0 : i32
      %dma_wait3A_340 = arith.constant 3 : i32
      %dma_wait3A_341 = arith.constant 0 : i32
      %dma_wait3A_342 = arith.constant 0 : i32
      %dma_wait3A_343 = tpu.memref_slice %arg6[%dma_wait3A_340, %dma_wait3A_341, %dma_wait3A_342] : memref<4x200x64xf32, #tpu.memory_space<vmem>> -> memref<1x200x64xf32, #tpu.memory_space<vmem>>
      %dma_wait3A_344 = tpu.memref_squeeze %dma_wait3A_343 : memref<1x200x64xf32, #tpu.memory_space<vmem>> -> memref<200x64xf32, #tpu.memory_space<vmem>>
      %dma_wait3A_345 = arith.constant 0 : i32
      %dma_wait3A_346 = arith.constant 0 : i32
      %dma_wait3A_347 = tpu.memref_slice %dma_wait3A_344[%dma_wait3A_345, %dma_wait3A_346] : memref<200x64xf32, #tpu.memory_space<vmem>> -> memref<128x64xf32, #tpu.memory_space<vmem>>
      %dma_wait3A_348 = arith.constant 0 : i32
      %dma_wait3A_349 = tpu.memref_slice %arg5[%dma_wait3A_339, %dma_wait3A_348] : memref<128x200xi32, #tpu.memory_space<vmem>> -> memref<1x128xi32, #tpu.memory_space<vmem>>
      %dma_wait3A_350 = tpu.memref_squeeze %dma_wait3A_349 : memref<1x128xi32, #tpu.memory_space<vmem>> -> memref<128xi32, #tpu.memory_space<vmem>>
      %dma_wait3A_351 = arith.constant 0 : i32
      %dma_wait3A_352 = arith.constant 0 : i32
      %dma_wait3A_353 = tpu.memref_slice %arg3[%dma_wait3A_351, %dma_wait3A_352] : memref<1000000x64xf32, #tpu.memory_space<hbm>> -> memref<1000000x64xf32, #tpu.memory_space<hbm>>
      tpu.wait_indirect_dma semaphore(%arg11 : memref<!tpu.dma_semaphore, #tpu.memory_space<semaphore_mem>>) src(%dma_wait3A_353 : memref<1000000x64xf32, #tpu.memory_space<hbm>>) dst(%dma_wait3A_347 : memref<128x64xf32, #tpu.memory_space<vmem>>)
      %dma_wait3A_354 = arith.constant 0 : i32
      %dma_wait3A_355 = arith.constant 3 : i32
      %dma_wait3A_356 = arith.constant 0 : i32
      %dma_wait3A_357 = arith.constant 0 : i32
      %dma_wait3A_358 = tpu.memref_slice %arg6[%dma_wait3A_355, %dma_wait3A_356, %dma_wait3A_357] : memref<4x200x64xf32, #tpu.memory_space<vmem>> -> memref<1x200x64xf32, #tpu.memory_space<vmem>>
      %dma_wait3A_359 = tpu.memref_squeeze %dma_wait3A_358 : memref<1x200x64xf32, #tpu.memory_space<vmem>> -> memref<200x64xf32, #tpu.memory_space<vmem>>
      %dma_wait3A_360 = arith.constant 128 : i32
      %dma_wait3A_361 = arith.constant 0 : i32
      %dma_wait3A_362 = tpu.memref_slice %dma_wait3A_359[%dma_wait3A_360, %dma_wait3A_361] : memref<200x64xf32, #tpu.memory_space<vmem>> -> memref<72x64xf32, #tpu.memory_space<vmem>>
      %dma_wait3A_363 = arith.constant 128 : i32
      %dma_wait3A_364 = tpu.memref_slice %arg5[%dma_wait3A_354, %dma_wait3A_363] : memref<128x200xi32, #tpu.memory_space<vmem>> -> memref<1x72xi32, #tpu.memory_space<vmem>>
      %dma_wait3A_365 = tpu.memref_squeeze %dma_wait3A_364 : memref<1x72xi32, #tpu.memory_space<vmem>> -> memref<72xi32, #tpu.memory_space<vmem>>
      %dma_wait3A_366 = arith.constant 0 : i32
      %dma_wait3A_367 = arith.constant 0 : i32
      %dma_wait3A_368 = tpu.memref_slice %arg3[%dma_wait3A_366, %dma_wait3A_367] : memref<1000000x64xf32, #tpu.memory_space<hbm>> -> memref<1000000x64xf32, #tpu.memory_space<hbm>>
      tpu.wait_indirect_dma semaphore(%arg11 : memref<!tpu.dma_semaphore, #tpu.memory_space<semaphore_mem>>) src(%dma_wait3A_368 : memref<1000000x64xf32, #tpu.memory_space<hbm>>) dst(%dma_wait3A_362 : memref<72x64xf32, #tpu.memory_space<vmem>>)
      %broadcast_in_dim3A_369 = arith.constant 0.000000e+00 : f32
      %broadcast_in_dim3A_370 = vector.broadcast %broadcast_in_dim3A_369 : f32 to vector<16xf32>
      %broadcast_in_dim3A_371 = arith.constant 0.000000e+00 : f32
      %broadcast_in_dim3A_372 = vector.broadcast %broadcast_in_dim3A_371 : f32 to vector<16xf32>
      %broadcast_in_dim3A_373 = arith.constant 0.000000e+00 : f32
      %broadcast_in_dim3A_374 = vector.broadcast %broadcast_in_dim3A_373 : f32 to vector<16xf32>
      %broadcast_in_dim3A_375 = arith.constant 0.000000e+00 : f32
      %broadcast_in_dim3A_376 = vector.broadcast %broadcast_in_dim3A_375 : f32 to vector<16xf32>
      %scan3A_377 = arith.constant 0 : i32
      %scan3A_378 = arith.constant 200 : i32
      %scan3A_379 = arith.addi %scan3A_377, %scan3A_378 : i32
      %scan3A_380 = arith.constant 4 : i32
      %scan3A_381:4 = scf.for %scan3A_404 = %scan3A_377 to %scan3A_379 step %scan3A_380 iter_args(%scan3A_405 = %broadcast_in_dim3A_370, %scan3A_406 = %broadcast_in_dim3A_372, %scan3A_407 = %broadcast_in_dim3A_374, %scan3A_408 = %broadcast_in_dim3A_376) -> (vector<16xf32>, vector<16xf32>, vector<16xf32>, vector<16xf32>)  : i32 {
        %get3A = arith.constant 3 : i32
        %get3A_409 = arith.index_cast %get3A : i32 to index
        %get3A_410 = arith.index_cast %scan3A_404 : i32 to index
        %get3A_411 = arith.constant 0 : index
        %get3A_412 = tpu.vector_load %arg6[%get3A_409, %get3A_410, %get3A_411] {strides = array<i32>} : memref<4x200x64xf32, #tpu.memory_space<vmem>>, vector<1x1x16xf32>,
        %get3A_413 = vector.shape_cast %get3A_412 : vector<1x1x16xf32> to vector<16xf32>
        %add3A_414 = arith.addf %scan3A_405, %get3A_413 : vector<16xf32>
        %get3A_415 = arith.constant 3 : i32
        %get3A_416 = arith.index_cast %get3A_415 : i32 to index
        %get3A_417 = arith.index_cast %scan3A_404 : i32 to index
        %get3A_418 = arith.constant 16 : index
        %get3A_419 = tpu.vector_load %arg6[%get3A_416, %get3A_417, %get3A_418] {strides = array<i32>} : memref<4x200x64xf32, #tpu.memory_space<vmem>>, vector<1x1x16xf32>,
        %get3A_420 = vector.shape_cast %get3A_419 : vector<1x1x16xf32> to vector<16xf32>
        %add3A_421 = arith.addf %scan3A_406, %get3A_420 : vector<16xf32>
        %get3A_422 = arith.constant 3 : i32
        %get3A_423 = arith.index_cast %get3A_422 : i32 to index
        %get3A_424 = arith.index_cast %scan3A_404 : i32 to index
        %get3A_425 = arith.constant 32 : index
        %get3A_426 = tpu.vector_load %arg6[%get3A_423, %get3A_424, %get3A_425] {strides = array<i32>} : memref<4x200x64xf32, #tpu.memory_space<vmem>>, vector<1x1x16xf32>,
        %get3A_427 = vector.shape_cast %get3A_426 : vector<1x1x16xf32> to vector<16xf32>
        %add3A_428 = arith.addf %scan3A_407, %get3A_427 : vector<16xf32>
        %get3A_429 = arith.constant 3 : i32
        %get3A_430 = arith.index_cast %get3A_429 : i32 to index
        %get3A_431 = arith.index_cast %scan3A_404 : i32 to index
        %get3A_432 = arith.constant 48 : index
        %get3A_433 = tpu.vector_load %arg6[%get3A_430, %get3A_431, %get3A_432] {strides = array<i32>} : memref<4x200x64xf32, #tpu.memory_space<vmem>>, vector<1x1x16xf32>,
        %get3A_434 = vector.shape_cast %get3A_433 : vector<1x1x16xf32> to vector<16xf32>
        %add3A_435 = arith.addf %scan3A_408, %get3A_434 : vector<16xf32>
        %scan3A_436 = arith.constant 1 : i32
        %scan3A_437 = arith.addi %scan3A_404, %scan3A_436 : i32
        %get3A_438 = arith.constant 3 : i32
        %get3A_439 = arith.index_cast %get3A_438 : i32 to index
        %get3A_440 = arith.index_cast %scan3A_437 : i32 to index
        %get3A_441 = arith.constant 0 : index
        %get3A_442 = tpu.vector_load %arg6[%get3A_439, %get3A_440, %get3A_441] {strides = array<i32>} : memref<4x200x64xf32, #tpu.memory_space<vmem>>, vector<1x1x16xf32>,
        %get3A_443 = vector.shape_cast %get3A_442 : vector<1x1x16xf32> to vector<16xf32>
        %add3A_444 = arith.addf %add3A_414, %get3A_443 : vector<16xf32>
        %get3A_445 = arith.constant 3 : i32
        %get3A_446 = arith.index_cast %get3A_445 : i32 to index
        %get3A_447 = arith.index_cast %scan3A_437 : i32 to index
        %get3A_448 = arith.constant 16 : index
        %get3A_449 = tpu.vector_load %arg6[%get3A_446, %get3A_447, %get3A_448] {strides = array<i32>} : memref<4x200x64xf32, #tpu.memory_space<vmem>>, vector<1x1x16xf32>,
        %get3A_450 = vector.shape_cast %get3A_449 : vector<1x1x16xf32> to vector<16xf32>
        %add3A_451 = arith.addf %add3A_421, %get3A_450 : vector<16xf32>
        %get3A_452 = arith.constant 3 : i32
        %get3A_453 = arith.index_cast %get3A_452 : i32 to index
        %get3A_454 = arith.index_cast %scan3A_437 : i32 to index
        %get3A_455 = arith.constant 32 : index
        %get3A_456 = tpu.vector_load %arg6[%get3A_453, %get3A_454, %get3A_455] {strides = array<i32>} : memref<4x200x64xf32, #tpu.memory_space<vmem>>, vector<1x1x16xf32>,
        %get3A_457 = vector.shape_cast %get3A_456 : vector<1x1x16xf32> to vector<16xf32>
        %add3A_458 = arith.addf %add3A_428, %get3A_457 : vector<16xf32>
        %get3A_459 = arith.constant 3 : i32
        %get3A_460 = arith.index_cast %get3A_459 : i32 to index
        %get3A_461 = arith.index_cast %scan3A_437 : i32 to index
        %get3A_462 = arith.constant 48 : index
        %get3A_463 = tpu.vector_load %arg6[%get3A_460, %get3A_461, %get3A_462] {strides = array<i32>} : memref<4x200x64xf32, #tpu.memory_space<vmem>>, vector<1x1x16xf32>,
        %get3A_464 = vector.shape_cast %get3A_463 : vector<1x1x16xf32> to vector<16xf32>
        %add3A_465 = arith.addf %add3A_435, %get3A_464 : vector<16xf32>
        %scan3A_466 = arith.constant 2 : i32
        %scan3A_467 = arith.addi %scan3A_404, %scan3A_466 : i32
        %get3A_468 = arith.constant 3 : i32
        %get3A_469 = arith.index_cast %get3A_468 : i32 to index
        %get3A_470 = arith.index_cast %scan3A_467 : i32 to index
        %get3A_471 = arith.constant 0 : index
        %get3A_472 = tpu.vector_load %arg6[%get3A_469, %get3A_470, %get3A_471] {strides = array<i32>} : memref<4x200x64xf32, #tpu.memory_space<vmem>>, vector<1x1x16xf32>,
        %get3A_473 = vector.shape_cast %get3A_472 : vector<1x1x16xf32> to vector<16xf32>
        %add3A_474 = arith.addf %add3A_444, %get3A_473 : vector<16xf32>
        %get3A_475 = arith.constant 3 : i32
        %get3A_476 = arith.index_cast %get3A_475 : i32 to index
        %get3A_477 = arith.index_cast %scan3A_467 : i32 to index
        %get3A_478 = arith.constant 16 : index
        %get3A_479 = tpu.vector_load %arg6[%get3A_476, %get3A_477, %get3A_478] {strides = array<i32>} : memref<4x200x64xf32, #tpu.memory_space<vmem>>, vector<1x1x16xf32>,
        %get3A_480 = vector.shape_cast %get3A_479 : vector<1x1x16xf32> to vector<16xf32>
        %add3A_481 = arith.addf %add3A_451, %get3A_480 : vector<16xf32>
        %get3A_482 = arith.constant 3 : i32
        %get3A_483 = arith.index_cast %get3A_482 : i32 to index
        %get3A_484 = arith.index_cast %scan3A_467 : i32 to index
        %get3A_485 = arith.constant 32 : index
        %get3A_486 = tpu.vector_load %arg6[%get3A_483, %get3A_484, %get3A_485] {strides = array<i32>} : memref<4x200x64xf32, #tpu.memory_space<vmem>>, vector<1x1x16xf32>,
        %get3A_487 = vector.shape_cast %get3A_486 : vector<1x1x16xf32> to vector<16xf32>
        %add3A_488 = arith.addf %add3A_458, %get3A_487 : vector<16xf32>
        %get3A_489 = arith.constant 3 : i32
        %get3A_490 = arith.index_cast %get3A_489 : i32 to index
        %get3A_491 = arith.index_cast %scan3A_467 : i32 to index
        %get3A_492 = arith.constant 48 : index
        %get3A_493 = tpu.vector_load %arg6[%get3A_490, %get3A_491, %get3A_492] {strides = array<i32>} : memref<4x200x64xf32, #tpu.memory_space<vmem>>, vector<1x1x16xf32>,
        %get3A_494 = vector.shape_cast %get3A_493 : vector<1x1x16xf32> to vector<16xf32>
        %add3A_495 = arith.addf %add3A_465, %get3A_494 : vector<16xf32>
        %scan3A_496 = arith.constant 3 : i32
        %scan3A_497 = arith.addi %scan3A_404, %scan3A_496 : i32
        %get3A_498 = arith.constant 3 : i32
        %get3A_499 = arith.index_cast %get3A_498 : i32 to index
        %get3A_500 = arith.index_cast %scan3A_497 : i32 to index
        %get3A_501 = arith.constant 0 : index
        %get3A_502 = tpu.vector_load %arg6[%get3A_499, %get3A_500, %get3A_501] {strides = array<i32>} : memref<4x200x64xf32, #tpu.memory_space<vmem>>, vector<1x1x16xf32>,
        %get3A_503 = vector.shape_cast %get3A_502 : vector<1x1x16xf32> to vector<16xf32>
        %add3A_504 = arith.addf %add3A_474, %get3A_503 : vector<16xf32>
        %get3A_505 = arith.constant 3 : i32
        %get3A_506 = arith.index_cast %get3A_505 : i32 to index
        %get3A_507 = arith.index_cast %scan3A_497 : i32 to index
        %get3A_508 = arith.constant 16 : index
        %get3A_509 = tpu.vector_load %arg6[%get3A_506, %get3A_507, %get3A_508] {strides = array<i32>} : memref<4x200x64xf32, #tpu.memory_space<vmem>>, vector<1x1x16xf32>,
        %get3A_510 = vector.shape_cast %get3A_509 : vector<1x1x16xf32> to vector<16xf32>
        %add3A_511 = arith.addf %add3A_481, %get3A_510 : vector<16xf32>
        %get3A_512 = arith.constant 3 : i32
        %get3A_513 = arith.index_cast %get3A_512 : i32 to index
        %get3A_514 = arith.index_cast %scan3A_497 : i32 to index
        %get3A_515 = arith.constant 32 : index
        %get3A_516 = tpu.vector_load %arg6[%get3A_513, %get3A_514, %get3A_515] {strides = array<i32>} : memref<4x200x64xf32, #tpu.memory_space<vmem>>, vector<1x1x16xf32>,
        %get3A_517 = vector.shape_cast %get3A_516 : vector<1x1x16xf32> to vector<16xf32>
        %add3A_518 = arith.addf %add3A_488, %get3A_517 : vector<16xf32>
        %get3A_519 = arith.constant 3 : i32
        %get3A_520 = arith.index_cast %get3A_519 : i32 to index
        %get3A_521 = arith.index_cast %scan3A_497 : i32 to index
        %get3A_522 = arith.constant 48 : index
        %get3A_523 = tpu.vector_load %arg6[%get3A_520, %get3A_521, %get3A_522] {strides = array<i32>} : memref<4x200x64xf32, #tpu.memory_space<vmem>>, vector<1x1x16xf32>,
        %get3A_524 = vector.shape_cast %get3A_523 : vector<1x1x16xf32> to vector<16xf32>
        %add3A_525 = arith.addf %add3A_495, %get3A_524 : vector<16xf32>
        scf.yield %add3A_504, %add3A_511, %add3A_518, %add3A_525 : vector<16xf32>, vector<16xf32>, vector<16xf32>, vector<16xf32>
      }
      %scan3A_382 = arith.constant 200 : i32
      %swap3A_383 = arith.index_cast %add3A_329 : i32 to index
      %swap3A_384 = arith.constant 0 : index
      %swap3A_385 = tpu.vector_load %arg7[%swap3A_383, %swap3A_384] {strides = array<i32>} : memref<128x64xf32, #tpu.memory_space<vmem>>, vector<1x16xf32>,
      %swap3A_386 = vector.shape_cast %swap3A_385 : vector<1x16xf32> to vector<16xf32>
      %swap3A_387 = vector.shape_cast %scan3A_381#0 : vector<16xf32> to vector<1x16xf32>
      tpu.vector_store %arg7[%swap3A_383, %swap3A_384], %swap3A_387 {strides = array<i32>} : memref<128x64xf32, #tpu.memory_space<vmem>>, vector<1x16xf32>,
      %swap3A_388 = arith.index_cast %add3A_329 : i32 to index
      %swap3A_389 = arith.constant 16 : index
      %swap3A_390 = tpu.vector_load %arg7[%swap3A_388, %swap3A_389] {strides = array<i32>} : memref<128x64xf32, #tpu.memory_space<vmem>>, vector<1x16xf32>,
      %swap3A_391 = vector.shape_cast %swap3A_390 : vector<1x16xf32> to vector<16xf32>
      %swap3A_392 = vector.shape_cast %scan3A_381#1 : vector<16xf32> to vector<1x16xf32>
      tpu.vector_store %arg7[%swap3A_388, %swap3A_389], %swap3A_392 {strides = array<i32>} : memref<128x64xf32, #tpu.memory_space<vmem>>, vector<1x16xf32>,
      %swap3A_393 = arith.index_cast %add3A_329 : i32 to index
      %swap3A_394 = arith.constant 32 : index
      %swap3A_395 = tpu.vector_load %arg7[%swap3A_393, %swap3A_394] {strides = array<i32>} : memref<128x64xf32, #tpu.memory_space<vmem>>, vector<1x16xf32>,
      %swap3A_396 = vector.shape_cast %swap3A_395 : vector<1x16xf32> to vector<16xf32>
      %swap3A_397 = vector.shape_cast %scan3A_381#2 : vector<16xf32> to vector<1x16xf32>
      tpu.vector_store %arg7[%swap3A_393, %swap3A_394], %swap3A_397 {strides = array<i32>} : memref<128x64xf32, #tpu.memory_space<vmem>>, vector<1x16xf32>,
      %swap3A_398 = arith.index_cast %add3A_329 : i32 to index
      %swap3A_399 = arith.constant 48 : index
      %swap3A_400 = tpu.vector_load %arg7[%swap3A_398, %swap3A_399] {strides = array<i32>} : memref<128x64xf32, #tpu.memory_space<vmem>>, vector<1x16xf32>,
      %swap3A_401 = vector.shape_cast %swap3A_400 : vector<1x16xf32> to vector<16xf32>
      %swap3A_402 = vector.shape_cast %scan3A_381#3 : vector<16xf32> to vector<1x16xf32>
      tpu.vector_store %arg7[%swap3A_398, %swap3A_399], %swap3A_402 {strides = array<i32>} : memref<128x64xf32, #tpu.memory_space<vmem>>, vector<1x16xf32>,
      %scan3A_403 = arith.constant 0 : i32
      scf.yield %scan3A_403 : i32
    }
    %scan3A_97 = arith.constant 32 : i32
    %mul3A_98 = arith.constant 128 : i32
    %mul3A_99 = arith.muli %add3A, %mul3A_98 : i32
    "tpu.region"() ({
      %run_scoped3A = tpu.sem_alloc : memref<!tpu.dma_semaphore, #tpu.memory_space<semaphore_mem>>
      %dma_start3A_100 = arith.constant 0 : i32
      %dma_start3A_101 = tpu.memref_slice %arg4[%mul3A_99, %dma_start3A_100] : memref<4096x64xf32, #tpu.memory_space<hbm>> -> memref<128x64xf32, #tpu.memory_space<hbm>>
      %dma_start3A_102 = arith.constant 0 : i32
      %dma_start3A_103 = tpu.memref_slice %arg4[%mul3A_99, %dma_start3A_102] : memref<4096x64xf32, #tpu.memory_space<hbm>> -> memref<128x64xf32, #tpu.memory_space<hbm>>
      tpu.enqueue_dma source(%arg7 : memref<128x64xf32, #tpu.memory_space<vmem>>) target(%dma_start3A_103 : memref<128x64xf32, #tpu.memory_space<hbm>>) target_semaphore(%run_scoped3A : memref<!tpu.dma_semaphore, #tpu.memory_space<semaphore_mem>>)
      %dma_wait3A = arith.constant 0 : i32
      %dma_wait3A_104 = tpu.memref_slice %arg4[%mul3A_99, %dma_wait3A] : memref<4096x64xf32, #tpu.memory_space<hbm>> -> memref<128x64xf32, #tpu.memory_space<hbm>>
      %dma_wait3A_105 = arith.constant 0 : i32
      %dma_wait3A_106 = tpu.memref_slice %arg4[%mul3A_99, %dma_wait3A_105] : memref<4096x64xf32, #tpu.memory_space<hbm>> -> memref<128x64xf32, #tpu.memory_space<hbm>>
      tpu.wait_dma2 semaphore(%run_scoped3A : memref<!tpu.dma_semaphore, #tpu.memory_space<semaphore_mem>>) src(%arg7 : memref<128x64xf32, #tpu.memory_space<vmem>>) dst(%dma_wait3A_106 : memref<128x64xf32, #tpu.memory_space<hbm>>)
      tpu.yield
    }) : () -> ()
    return
  }
}

module attributes {stable_mosaic.version = 14 : i64} {
  func.func @_tc_body(%arg0: memref<4096x64xf32, #tpu.memory_space<vmem>>, %arg1: memref<64x64xf32, #tpu.memory_space<vmem>>, %arg2: memref<1x64xf32, #tpu.memory_space<vmem>>, %arg3: memref<1x64xf32, #tpu.memory_space<vmem>>, %arg4: memref<1x64xf32, #tpu.memory_space<vmem>>, %arg5: memref<4096x64xf32, #tpu.memory_space<vmem>>) attributes {dimension_semantics = [], scalar_prefetch = 0 : i64, scratch_operands = 0 : i64, tpu.core_type = #tpu.core_type<tc>} {
    %get3A = arith.constant 0 : index
    %get3A_0 = arith.constant 0 : index
    %get3A_1 = vector.load %arg0[%get3A, %get3A_0] : memref<4096x64xf32, #tpu.memory_space<vmem>>, vector<4096x64xf32>
    %mul3A = arith.constant 5.000000e-03 : f32
    %mul3A_2 = vector.broadcast %mul3A : f32 to vector<4096x64xf32>
    %mul3A_3 = arith.mulf %get3A_1, %mul3A_2 : vector<4096x64xf32>
    %get3A_4 = arith.constant 0 : index
    %get3A_5 = arith.constant 0 : index
    %get3A_6 = vector.load %arg1[%get3A_4, %get3A_5] : memref<64x64xf32, #tpu.memory_space<vmem>>, vector<64x64xf32>
    %dot_general3A = arith.constant dense<0.000000e+00> : vector<4096x64xf32>
    %dot_general3A_7 = tpu.matmul %mul3A_3, %get3A_6, %dot_general3A {dimension_numbers = #tpu.dot_dimension_numbers<[1], [1], [0], [0], [0, 0, 1, 0], [], []>, transpose_lhs_hint = false} : vector<4096x64xf32>, vector<64x64xf32>, vector<4096x64xf32> -> vector<4096x64xf32>
    %get3A_8 = arith.constant 0 : index
    %get3A_9 = arith.constant 0 : index
    %get3A_10 = vector.load %arg2[%get3A_8, %get3A_9] : memref<1x64xf32, #tpu.memory_space<vmem>>, vector<1x64xf32>
    %add3A = vector.broadcast %get3A_10 : vector<1x64xf32> to vector<4096x64xf32>
    %add3A_11 = arith.addf %dot_general3A_7, %add3A : vector<4096x64xf32>
    %reduce_sum3A = arith.constant dense<0.000000e+00> : vector<64xf32>
    %reduce_sum3A_12 = vector.multi_reduction <add>, %add3A_11, %reduce_sum3A [0] : vector<4096x64xf32> to vector<64xf32>
    %broadcast_in_dim3A = vector.shape_cast %reduce_sum3A_12 : vector<64xf32> to vector<1x64xf32>
    %div3A = arith.constant 4.096000e+03 : f32
    %div3A_13 = vector.broadcast %div3A : f32 to vector<1x64xf32>
    %div3A_14 = arith.divf %broadcast_in_dim3A, %div3A_13 : vector<1x64xf32>
    %sub3A = vector.broadcast %div3A_14 : vector<1x64xf32> to vector<4096x64xf32>
    %sub3A_15 = arith.subf %add3A_11, %sub3A : vector<4096x64xf32>
    %mul3A_16 = arith.mulf %sub3A_15, %sub3A_15 : vector<4096x64xf32>
    %reduce_sum3A_17 = arith.constant dense<0.000000e+00> : vector<64xf32>
    %reduce_sum3A_18 = vector.multi_reduction <add>, %mul3A_16, %reduce_sum3A_17 [0] : vector<4096x64xf32> to vector<64xf32>
    %broadcast_in_dim3A_19 = vector.shape_cast %reduce_sum3A_18 : vector<64xf32> to vector<1x64xf32>
    %div3A_20 = arith.constant 4.096000e+03 : f32
    %div3A_21 = vector.broadcast %div3A_20 : f32 to vector<1x64xf32>
    %div3A_22 = arith.divf %broadcast_in_dim3A_19, %div3A_21 : vector<1x64xf32>
    %add3A_23 = arith.constant 9.99999974E-6 : f32
    %add3A_24 = vector.broadcast %add3A_23 : f32 to vector<1x64xf32>
    %add3A_25 = arith.addf %div3A_22, %add3A_24 : vector<1x64xf32>
    %sqrt3A = math.sqrt %add3A_25 : vector<1x64xf32>
    %div3A_26 = vector.broadcast %sqrt3A : vector<1x64xf32> to vector<4096x64xf32>
    %div3A_27 = arith.divf %sub3A_15, %div3A_26 : vector<4096x64xf32>
    %get3A_28 = arith.constant 0 : index
    %get3A_29 = arith.constant 0 : index
    %get3A_30 = vector.load %arg3[%get3A_28, %get3A_29] : memref<1x64xf32, #tpu.memory_space<vmem>>, vector<1x64xf32>
    %mul3A_31 = vector.broadcast %get3A_30 : vector<1x64xf32> to vector<4096x64xf32>
    %mul3A_32 = arith.mulf %div3A_27, %mul3A_31 : vector<4096x64xf32>
    %get3A_33 = arith.constant 0 : index
    %get3A_34 = arith.constant 0 : index
    %get3A_35 = vector.load %arg4[%get3A_33, %get3A_34] : memref<1x64xf32, #tpu.memory_space<vmem>>, vector<1x64xf32>
    %add3A_36 = vector.broadcast %get3A_35 : vector<1x64xf32> to vector<4096x64xf32>
    %add3A_37 = arith.addf %mul3A_32, %add3A_36 : vector<4096x64xf32>
    %mul3A_38 = arith.mulf %add3A_37, %add3A_37 : vector<4096x64xf32>
    %reduce_sum3A_39 = arith.constant dense<0.000000e+00> : vector<4096xf32>
    %reduce_sum3A_40 = vector.multi_reduction <add>, %mul3A_38, %reduce_sum3A_39 [1] : vector<4096x64xf32> to vector<4096xf32>
    %broadcast_in_dim3A_41 = vector.shape_cast %reduce_sum3A_40 : vector<4096xf32> to vector<4096x1xf32>
    %sqrt3A_42 = math.sqrt %broadcast_in_dim3A_41 : vector<4096x1xf32>
    %div3A_43 = vector.broadcast %sqrt3A_42 : vector<4096x1xf32> to vector<4096x64xf32>
    %div3A_44 = arith.divf %add3A_37, %div3A_43 : vector<4096x64xf32>
    %swap3A = arith.constant 0 : index
    %swap3A_45 = arith.constant 0 : index
    %swap3A_46 = vector.load %arg5[%swap3A, %swap3A_45] : memref<4096x64xf32, #tpu.memory_space<vmem>>, vector<4096x64xf32>
    tpu.vector_store %arg5[%swap3A, %swap3A_45], %div3A_44 {strides = array<i32>} : memref<4096x64xf32, #tpu.memory_space<vmem>>, vector<4096x64xf32>,
    return
  }
}

</mosaic_0001>

<sc_bundles>
// kernel: kernel.4.cloned.1.call-start
scs
__scs_entry_jumppad:
0x0: {  	(pc) =	sbr.rel $0x88, $3  }
0x1: {  	(tag) =	ssettag $0x0;
	lr =	simm.s32 $0x1  }
0x2: {  	[smem:$0x3F9B] =	sst lr;
	_ =	strace $0xD0000000  }
0x3: {  	_ = 	snop  }
0x4: {  	_ = 	snop  }
0x5: {  	_ = 	snop  }
0x6: {  	_ = 	snop  }
0x7: {  	_ = 	snop  }
__scs_overlays_trampoline_lowered:
0x8: {  	[smem:$0x3FAA] =	sst s0  }
0x9: {  	[smem:$0x3FAB] =	sst s1  }
0xa: {  	[smem:$0x3FAC] =	sst s2  }
0xb: {  	[smem:$0x3FAD] =	sst s3  }
0xc: {  	[smem:$0x3FAE] =	sst s4  }
0xd: {  	[smem:$0x3FAF] =	sst s5  }
0xe: {  	[smem:$0x3FB0] =	sst s6  }
0xf: {  	[smem:$0x3FB1] =	sst s7  }
0x10: {  	[smem:$0x3FB2] =	sst s8  }
0x11: {  	[smem:$0x3FB3] =	sst s9;
	s0 =	simm.s32 @!p0 $0x0  }
0x12: {  	s1 =	sld [smem:$0x3F99];
	s0 =	simm.s32 @p0 $0x1  }
0x13: {  	[smem:$0x3FB4] =	sst s0;
	s0 =	simm.s32 @!p1 $0x0  }
0x14: {  	s2 =	sld [smem:$0x3F98];
	s0 =	simm.s32 @p1 $0x1  }
0x15: {  	[smem:$0x3FB5] =	sst s0;
	s0 =	simm.s32 @!p2 $0x0  }
0x16: {  	s3 =	sld [smem:$0x3FDB];
	s0 =	simm.s32 @p2 $0x1  }
0x17: {  	s4 =	simm.s32 $0x1BF5;
	[smem:$0x3FB7] =	sst s0  }
0x18: {  	s0 =	sld [smem:$0x3F9A];
	_ =	swait.ge [sflag:s4], $0x0  }
0x19: {  	s7 =	sld [smem:$0x3F9B]  }
0x1a: {  	s8 =	sadd.s32 $0xFFFFE003, lr  }
0x1b: {  	s9 =	sadd.s32 $0xFFFFFEF7, lr;
	s5 =	simm.s32 $0xFFFFFFFF;
	p2 =	slt.u32 s8, $0xFFFFF086  }
0x1c: {  	p1 =	slt.u32 s9, $0xF7A;
	s5 =	simm.s32 @!p2 $0x0  }
0x1d: {  	s5 =	simm.s32 @p1 $0x1;
	p0 =	seq.s32 s7, s2  }
0x1e: {  	s7 =	smul.u32 @!p0 $0xF7A, s2;
	p2 =	seq.s32 @!p0 s5, $0x0  }
0x1f: {  	s9 =	smul.u32 $0xF7A, s1;
	s8 =	simm.s32 @!p0 $0x1BF5;
	p2 =	por !p2, p0  }
0x20: {  	[sflag:s8] =	ssyncset.s32 @!p0 $0xFFFFF086;
	s6 =	sadd.s32 @!p0 s3, s7;
	s7 =	simm.s32 @!p0 $0x108  }
0x21: {  	s3 =	sadd.s32 s3, s9;
	s6 =	sadd.s32 @!p0 $0x88, s6;
	s7 =	simm.s32 @p2 $0x1082  }
0x22: {  	[simem:s7], [sflag:s8] =	dma.local @!p0 [hbm:s6], $0xF7A  }
0x23: {  	s9 =	sor.u32 $0xD0000000, s2;
	s6 =	simm.s32 $0x108;
	_ =	swait.ge @!p0 [sflag:s8], $0x0  }
0x24: {  	s3 =	sadd.s32 $0x88, s3;
	s6 =	simm.s32 @!p1 $0x1082;
	[sflag:s4] =	ssyncset.s32 $0xFFFFF086  }
0x25: {  	[simem:s6], [sflag:s4] =	dma.local [hbm:s3], $0xF7A  }
0x26: {  	[smem:$0x3F9B] =	sst s1;
	(tag) =	ssettag s2;
	_ =	strace s9  }
0x27: {  	s1 =	sld [smem:$0x3FAB]  }
0x28: {  	s2 =	sld [smem:$0x3FAC]  }
0x29: {  	s4 =	sld [smem:$0x3FAE]  }
0x2a: {  	p0 =	seq.s32 s5, $0x0;
	s5 =	sld [smem:$0x3FAF]  }
0x2b: {  	s6 =	sld [smem:$0x3FB0]  }
0x2c: {  	s7 =	sld [smem:$0x3FB1]  }
0x2d: {  	s3 =	simm.s32 $0x108;
	s8 =	sld [smem:$0x3FB2]  }
0x2e: {  	s3 =	simm.s32 @!p0 $0x1082;
	s9 =	sld [smem:$0x3FB3]  }
0x2f: {  	lr =	sadd.s32 s0, s3;
	s0 =	sld [smem:$0x3FAA]  }
0x30: {  	s3 =	sld [smem:$0x3FAD]  }
0x31: {  	[smem:$0x3FB6] =	sst s10  }
0x32: {  	s10 =	sld [smem:$0x3FB4];
	_ =	sdelay $0x3  }
0x33: {  	p0 =	seq.s32 s10, $0x1;
	s10 =	sld [smem:$0x3FB6];
	_ =	sdelay $0x3  }
0x34: {  	[smem:$0x3FB6] =	sst s10  }
0x35: {  	s10 =	sld [smem:$0x3FB5];
	_ =	sdelay $0x3  }
0x36: {  	p1 =	seq.s32 s10, $0x1;
	s10 =	sld [smem:$0x3FB6];
	_ =	sdelay $0x3  }
0x37: {  	[smem:$0x3FB6] =	sst s10  }
0x38: {  	s10 =	sld [smem:$0x3FB7]  }
0x39: {  	_ = 	snop;
	(pc) =	sbr.ind lr, $3  }
0x3a: {  	_ = 	snop  }
0x3b: {  	_ = 	snop  }
0x3c: {  	p2 =	seq.s32 s10, $0x1;
	s10 =	sld [smem:$0x3FB6]  }
0x3d: {  	_ =	shalt  }
0x3e: {  	_ =	shalt  }
0x3f: {  	_ =	shalt  }
0x40: {  	_ =	shalt  }
0x41: {  	_ =	shalt  }
0x42: {  	_ =	shalt  }
0x43: {  	_ =	shalt  }
0x44: {  	_ =	shalt  }
0x45: {  	_ =	shalt  }
0x46: {  	_ =	shalt  }
0x47: {  	_ =	shalt  }
0x48: {  	_ =	shalt  }
0x49: {  	_ =	shalt  }
0x4a: {  	_ =	shalt  }
0x4b: {  	_ =	shalt  }
0x4c: {  	_ =	shalt  }
0x4d: {  	_ =	shalt  }
0x4e: {  	_ =	shalt  }
0x4f: {  	_ =	shalt  }
0x50: {  	_ =	shalt  }
0x51: {  	_ =	shalt  }
0x52: {  	_ =	shalt  }
0x53: {  	_ =	shalt  }
0x54: {  	_ =	shalt  }
0x55: {  	_ =	shalt  }
0x56: {  	_ =	shalt  }
0x57: {  	_ =	shalt  }
0x58: {  	_ =	shalt  }
0x59: {  	_ =	shalt  }
0x5a: {  	_ =	shalt  }
0x5b: {  	_ =	shalt  }
0x5c: {  	_ =	shalt  }
0x5d: {  	_ =	shalt  }
0x5e: {  	_ =	shalt  }
0x5f: {  	_ =	shalt  }
0x60: {  	_ =	shalt  }
0x61: {  	_ =	shalt  }
0x62: {  	_ =	shalt  }
0x63: {  	_ =	shalt  }
0x64: {  	_ =	shalt  }
0x65: {  	_ =	shalt  }
0x66: {  	_ =	shalt  }
0x67: {  	_ =	shalt  }
0x68: {  	_ =	shalt  }
0x69: {  	_ =	shalt  }
0x6a: {  	_ =	shalt  }
0x6b: {  	_ =	shalt  }
0x6c: {  	_ =	shalt  }
0x6d: {  	_ =	shalt  }
0x6e: {  	_ =	shalt  }
0x6f: {  	_ =	shalt  }
0x70: {  	_ =	shalt  }
0x71: {  	_ =	shalt  }
0x72: {  	_ =	shalt  }
0x73: {  	_ =	shalt  }
0x74: {  	_ =	shalt  }
0x75: {  	_ =	shalt  }
0x76: {  	_ =	shalt  }
0x77: {  	_ =	shalt  }
0x78: {  	_ =	shalt  }
0x79: {  	_ =	shalt  }
0x7a: {  	_ =	shalt  }
0x7b: {  	_ =	shalt  }
0x7c: {  	_ =	shalt  }
0x7d: {  	_ =	shalt  }
0x7e: {  	_ =	shalt  }
0x7f: {  	_ =	shalt  }
0x80: {  	_ =	shalt  }
0x81: {  	_ =	shalt  }
0x82: {  	_ =	shalt  }
0x83: {  	_ =	shalt  }
0x84: {  	_ =	shalt  }
0x85: {  	_ =	shalt  }
0x86: {  	_ =	shalt  }
0x87: {  	_ =	shalt  }
.Lfunc_end0:
.L_simem_size_0:
called_computation_lowered:
.L_overlay_start_0:
0x88: {  	s2 =	sld [smem:$0x3FD9]  }
0x89: {  	s3 =	sld [smem:$0x3FFE];
	_ =	sdelay $0x1  }
0x8a: {  	s1 =	srdreg.scid  }
0x8b: {  	s0 =	sand.u32 $0x1, s1  }
0x8c: {  	s17 =	sshll.u32 s0, $0xA;
	s2 =	sadd.s32 s3, s2  }
0x8d: {  	s2 =	sadd.s32 s2, s17  }
0x8e: {  	[smem:$0x3FC2] =	sst s2  }
0x8f: {  	_ = 	snop  }
0x90: {  	s2 =	sld [smem:$0x3FD0];
	(tm) =	ssettm $0x1  }
0x91: {  	s18 =	sld [smem:$0x3FFB];
	_ =	sdelay $0x3  }
0x92: {  	_ =	strace s18  }
0x93: {  	s3 =	sld [smem:$0x3FFC];
	_ =	sdelay $0x3  }
0x94: {  	_ =	strace s3  }
0x95: {  	s3 =	sld [smem:$0x3FFD];
	_ =	sdelay $0x3  }
0x96: {  	_ =	strace s3  }
0x97: {  	_ =	strace $0x8FFFFFFF  }
0x98: {  	s19 =	sld [smem:$0x3FDB];
	_ =	sdelay $0x1  }
0x99: {  	s4 =	simm.s32 $_scs_section_size  }
0x9a: {  	s5 =	simm.s32 $_size__tile_overlayer_lowered;
	s6 =	simm.s32 $_tile_overlayer_lowered  }
0x9b: {  	s22 =	simm.s32 $0x1BFF;
	s21 =	sshll.u32 s6, $0x1;
	s3 =	sadd.s32 s4, s19  }
0x9c: {  	s7 =	simm.s32 $0x0;
	s20 =	sshll.u32 s5, $0x1;
	s5 =	sadd.s32 s21, s3  }
0x9d: {  	[timem:s7], [sflag:s22] =	dma.local [hbm:s5], s20  }
0x9e: {  	_ =	swait.ge [sflag:s22], s20  }
0x9f: {  	s4 =	ssub.s32 $0x0, s20;
	[sflag:s22] =	ssyncset.done $0x0  }
0xa0: {  	[sflag:s22] =	ssyncadd.s32 s4;
	_ =	sdelay $0x1  }
0xa1: {  	s23 =	simm.s32 $0x1B8B  }
0xa2: {  	_ =	swait.ge [sflag:s23], $0x1  }
0xa3: {  	[sflag:s23] =	ssyncset.done $0x0  }
0xa4: {  	s25 =	simm.s32 $0x1B8E;
	s24 =	sld [smem:$0x3FFE];
	[sflag:s23] =	ssyncadd.s32 $0xFFFFFFFF  }
0xa5: {  	s26 =	simm.s32 $execute0_lowered;
	[smem:$0x3FD2] =	sst s25  }
0xa6: {  	s5 =	sshll.u32 s26, $0x1;
	_ =	strace $0x80000046;
	[dreg:$0x1] =	wrdreg $0xFFFFFFFF  }
0xa7: {  	s28 =	simm.s32 $_size_execute0_lowered;
	s3 =	sadd.s32 s3, s5;
	[dreg:$0x0] =	wrdreg $0x0  }
0xa8: {  	s5 =	sshll.u32 s28, $0x1;
	[dreg:$0x2] =	wrdreg s3  }
0xa9: {  	[dreg:$0x3] =	wrdreg s5  }
0xaa: {  	[dreg:$0x4] =	wrdreg $0xC0  }
0xab: {  	_ =	task [dreg:s7], $0x5FFFF  }
0xac: {  	[dreg:$0x1] =	wrdreg $0xFFFFFFFF  }
0xad: {  	[dreg:$0x0] =	wrdreg $0x60  }
0xae: {  	[dreg:$0x2] =	wrdreg s24  }
0xaf: {  	[dreg:$0x3] =	wrdreg s2  }
0xb0: {  	[dreg:$0x4] =	wrdreg $0x9  }
0xb1: {  	_ =	task.clear_ibuf [dreg:s7], $0x5FFFF;
	_ =	strace $0x90000046  }
0xb2: {  	s29 =	simm.s32 $0x9;
	_ =	strace $0x80000048  }
0xb3: {  	_ =	swait.ge [sflag:s29], $0x1  }
0xb4: {  	[sflag:s29] =	ssyncadd.s32 $0xFFFFFFFF  }
0xb5: {  	_ =	strace $0x90000048  }
0xb6: {  	_ =	sfence  }
0xb7: {  	s30 =	sld [smem:$0x0];
	_ =	sdelay $0x2  }
0xb8: {  	s31 =	sshll.u32 s1, $0xD;
	s1 =	sshrl.u32 s1, $0x2  }
0xb9: {  	s3 =	sand.u32 $0x4000, s31;
	s1 =	sadd.s32 s1, s30  }
0xba: {  	s0 =	sor.u32 s3, s0;
	s1 =	sshll.u32 s1, $0x11  }
0xbb: {  	s0 =	sor.u32 s1, s0  }
0xbc: {  	s0 =	sadd.s32 $0x8F2B, s0  }
0xbd: {  	[sflag:s0] =	ssyncadd.remote.s32 $0x1  }
0xbe: {  	_ =	sfence.sel $0xFFFF  }
0xbf: {  	[dreg:$0x0] =	wrdreg $0xFFFFFFFF;
	(pc) =	sbr.abs _section_cstart, $3  }
0xc0: {  	[dreg:$0x1] =	wrdreg $0xFFFFFFFF  }
0xc1: {  	_ =	task.clear_ibuf [dreg:s7], $0x2FFFF;
	_ =	strace $0x9FFFFFFF  }
0xc2: {  	(tm) =	ssettm $0x7FFFFFFF  }
0xc3: {  	_ =	shalt  }
tec
execute0_lowered:
.L_overlay_start_1:
0x0: {  	(tag) =	ssettag $0x1  }
0x1: {  	s0 =	srdreg.scid;
	s1 =	rddreg [dreg:$0x0]  }
0x2: {  	s2 =	stileid.u32;
	s5 =	rddreg [dreg:$0x1]  }
0x3: {  	s8 =	simm.s32 $0x80;
	s10 =	simm.s32 $0x48;
	s12 =	simm.s32 $0xC8  }
0x4: {  	s13 =	simm.s32 $0x9600;
	s14 =	simm.s32 $0x148;
	s15 =	simm.s32 $0xB600  }
0x5: {  	s16 =	simm.s32 $0x190;
	s17 =	simm.s32 $0xC800;
	s18 =	simm.s32 $0x210  }
0x6: {  	s19 =	simm.s32 $0xE800;
	s20 =	simm.s32 $0xFA00;
	s21 =	simm.s32 $0x11A00  }
0x7: {  	s22 =	simm.s32 $0x1;
	s23 =	simm.s32 $0x2;
	s24 =	simm.s32 $0x3  }
0x8: {  	s25 =	simm.s32 $0x4;
	s26 =	simm.s32 $0x12C00;
	s0 =	sand.u32 $0x1, s0  }
0x9: {  	s28 =	simm.s32 $0x0;
	s2 =	sshll.u32 s2, $0x8;
	s3 =	sshll.u32 s0, $0x7  }
0xa: {  	s0 =	ssub.s32 $0x2, s0;
	s4 =	sor.u32 s3, s2;
	s2 =	simm.s32 $0x0  }
0xb: {  	s7 =	sshrl.u32 s0, $0x1;
	s3 =	smul.u32 $0x19, s4;
	[smem:$0x7FF] =	sst s2  }
0xc: {  	s0 =	ssub.s32 s0, s7;
	s31 =	sshll.u32 s4, $0x3;
	s7 =	simm.s32 $0x5  }
0xd: {  	_ =	strace $0x80000047;
	s5 =	sadd.s32 s5, s31;
	s6 =	sadd.s32 s3, s1  }
0xe: {  	s3 =	sadd.s32 $0xF43200, s1;
	s4 =	sadd.s32 $0xE00, s6;
	s6 =	smax.u32 s0, $0x1  }
.LBB2_1:
0xf: {  	[tilespmem:s2], [sflag:$0x5] =	stream.linear.gather [hbm4b:s4+s2], $0x6400, $0x38;
	[tilespmem:$0x14C00] =	vst v63  }
0x10: {  	_ =	swait.ge [sflag:s7], $0x6400  }
0x11: {  	[sflag:s7] =	ssyncset.done $0x0  }
0x12: {  	s0 =	simm.s32 $0x6400;
	[sflag:s7] =	ssyncadd.s32 $0xFFFF9C00  }
0x13: {  	[tilespmem:s0], [sflag:$0x1] =	stream.indirect.gather [hbm4b:s3+s8], $0x40, s2, s8, $0xb8;
	[tilespmem:$0x14C00] =	vst v63  }
0x14: {  	s31 =	simm.s32 $0x8400  }
0x15: {  	[tilespmem:s31], [sflag:$0x1] =	stream.indirect.gather [hbm4b:s3+s10], $0x40, s8, s10, $0xb8;
	[tilespmem:$0x14C00] =	vst v63  }
0x16: {  	_ = 	snop  }
0x17: {  	[tilespmem:s13], [sflag:$0x2] =	stream.indirect.gather [hbm4b:s3+s8], $0x40, s12, s8, $0xb8;
	[tilespmem:$0x14C00] =	vst v63  }
0x18: {  	_ = 	snop  }
0x19: {  	[tilespmem:s15], [sflag:$0x2] =	stream.indirect.gather [hbm4b:s3+s10], $0x40, s14, s10, $0xb8;
	[tilespmem:$0x14C00] =	vst v63  }
0x1a: {  	_ = 	snop  }
0x1b: {  	[tilespmem:s17], [sflag:$0x3] =	stream.indirect.gather [hbm4b:s3+s8], $0x40, s16, s8, $0xb8;
	[tilespmem:$0x14C00] =	vst v63  }
0x1c: {  	s29 =	simm.s32 $0x0  }
0x1d: {  	[tilespmem:s19], [sflag:$0x3] =	stream.indirect.gather [hbm4b:s3+s10], $0x40, s18, s10, $0xb8;
	[tilespmem:$0x14C00] =	vst v63  }
.LBB2_2:
0x1e: {  	s30 =	sshllo.u32 s29, $0x2  }
0x1f: {  	s0 =	smul.u32 $0x320, s30;
	_ =	sdelay $0x1  }
0x20: {  	s0 =	sshra.s32 s0, $0x2  }
0x21: {  	[tilespmem:s20], [sflag:$0x4] =	stream.indirect.gather [hbm4b:s3+s8], $0x40, s0, s8, $0xb8;
	[tilespmem:$0x14C00] =	vst v63  }
0x22: {  	s0 =	sadd.s32 $0x80, s0  }
0x23: {  	[tilespmem:s21], [sflag:$0x4] =	stream.indirect.gather [hbm4b:s3+s10], $0x40, s0, s10, $0xb8;
	[tilespmem:$0x14C00] =	vst v63  }
0x24: {  	_ =	swait.ge [sflag:s22], $0x2000  }
0x25: {  	[sflag:s22] =	ssyncset.done $0x0  }
0x26: {  	[sflag:s22] =	ssyncadd.s32 $0xFFFFE000  }
0x27: {  	_ =	swait.ge [sflag:s22], $0x1200  }
0x28: {  	[sflag:s22] =	ssyncset.done $0x0  }
0x29: {  	s31 =	simm.s32 $0x6480;
	[sflag:s22] =	ssyncadd.s32 $0xFFFFEE00  }
0x2a: {  	v0 =	vld [tilespmem:s31+$0x40]  }
0x2b: {  	v1 =	vld [tilespmem:s31+$0x50]  }
0x2c: {  	v2 =	vld [tilespmem:s31+$0x0]  }
0x2d: {  	v3 =	vld [tilespmem:s31+$0x10]  }
0x2e: {  	v7 =	vld [tilespmem:s31+$0xFFFFFFC0]  }
0x2f: {  	v12 =	vld [tilespmem:s31+$0xFFFFFFD0]  }
0x30: {  	v4 =	vld [tilespmem:s31+$0xFFFFFF80]  }
0x31: {  	v6 =	vld [tilespmem:s31+$0xFFFFFF90]  }
0x32: {  	v10 =	vld [tilespmem:s31+$0xFFFFFFA0]  }
0x33: {  	v13 =	vld [tilespmem:s31+$0xFFFFFFB0]  }
0x34: {  	v8 =	vld [tilespmem:s31+$0xFFFFFFE0]  }
0x35: {  	v9 =	vld [tilespmem:s31+$0xFFFFFFF0]  }
0x36: {  	v14 =	vimm.f32 $0.0e+00;
	v5 =	vld [tilespmem:s31+$0x20]  }
0x37: {  	v15 =	vadd.f32 v4, v14;
	v16 =	vadd.f32 v6, v14;
	v6 =	vld [tilespmem:s31+$0x30]  }
0x38: {  	v11 =	vadd.f32 v10, v14;
	v10 =	vadd.f32 v13, v14;
	v4 =	vld [tilespmem:s31+$0x60]  }
0x39: {  	s1 =	simm.s32 $0x0;
	s0 =	simm.s32 $0x6580;
	v13 =	vadd.f32 v7, v15;
	v12 =	vadd.f32 v12, v16;
	v7 =	vld [tilespmem:s31+$0x70]  }
.LBB2_3:
0x3a: {  	v14 =	vld [tilespmem:s0+$0x40];
	v8 =	vadd.f32 v8, v11;
	v9 =	vadd.f32 v9, v10  }
0x3b: {  	v10 =	vld [tilespmem:s0+$0x50];
	v11 =	vadd.f32 v2, v13;
	v12 =	vadd.f32 v3, v12  }
0x3c: {  	v2 =	vld [tilespmem:s0+$0x0];
	v5 =	vadd.f32 v5, v8;
	v6 =	vadd.f32 v6, v9  }
0x3d: {  	v3 =	vld [tilespmem:s0+$0x10];
	v11 =	vadd.f32 v0, v11;
	v12 =	vadd.f32 v1, v12  }
0x3e: {  	v13 =	vld [tilespmem:s0+$0xFFFFFFC0];
	v4 =	vadd.f32 v4, v5;
	v7 =	vadd.f32 v7, v6  }
0x3f: {  	v15 =	vld [tilespmem:s0+$0xFFFFFFD0];
	v0 =	vmov v14  }
0x40: {  	v6 =	vld [tilespmem:s0+$0xFFFFFF80];
	v1 =	vmov v10  }
0x41: {  	v10 =	vld [tilespmem:s0+$0xFFFFFF90]  }
0x42: {  	v14 =	vld [tilespmem:s0+$0xFFFFFFA0]  }
0x43: {  	s1 =	sadd.s32 $0x4, s1;
	v16 =	vld [tilespmem:s0+$0xFFFFFFB0]  }
0x44: {  	p0 =	slt.u32 s1, $0xC4;
	v8 =	vld [tilespmem:s0+$0xFFFFFFE0]  }
.Ltmp0:
0x45: {  	v9 =	vld [tilespmem:s0+$0xFFFFFFF0];
	(pc) =	sbr.rel @p0 .LBB2_3-.Ltmp0, $4  }
0x46: {  	v5 =	vld [tilespmem:s0+$0x20]  }
0x47: {  	v17 =	vadd.f32 v6, v11;
	v12 =	vadd.f32 v10, v12;
	v6 =	vld [tilespmem:s0+$0x30]  }
0x48: {  	v11 =	vadd.f32 v14, v4;
	v10 =	vadd.f32 v16, v7;
	v4 =	vld [tilespmem:s0+$0x60]  }
0x49: {  	v13 =	vadd.f32 v13, v17;
	v12 =	vadd.f32 v15, v12;
	v7 =	vld [tilespmem:s0+$0x70];
	s0 =	sadd.s32 $0x100, s0  }
0x4a: {  	_ = 	snop  }
0x4b: {  	v8 =	vadd.f32 v8, v11;
	v2 =	vadd.f32 v2, v13  }
0x4c: {  	v9 =	vadd.f32 v9, v10;
	v3 =	vadd.f32 v3, v12  }
0x4d: {  	s0 =	sshll.u32 s29, $0x8;
	v5 =	vadd.f32 v5, v8;
	v0 =	vadd.f32 v0, v2  }
0x4e: {  	p0 =	seq.s32 s29, $0x1F;
	s31 =	sand.u32 $0x3FFFFF00, s0;
	v2 =	vadd.f32 v6, v9;
	v1 =	vadd.f32 v1, v3  }
0x4f: {  	s0 =	smul.u32 @!p0 $0xC80, s29;
	v3 =	vadd.f32 v4, v5;
	[tilespmem:s31+$0x12C00] =	vst v0  }
0x50: {  	v0 =	vadd.f32 v7, v2;
	[tilespmem:s31+$0x12C10] =	vst v1  }
0x51: {  	s1 =	sshra.s32 @!p0 s0, $0x2;
	[tilespmem:s31+$0x12C20] =	vst v3  }
0x52: {  	s9 =	simm.s32 @!p0 $0x80;
	s11 =	simm.s32 @!p0 $0x6400;
	s0 =	sadd.s32 @!p0 $0x320, s1;
	[tilespmem:s31+$0x12C30] =	vst v0  }
0x53: {  	[tilespmem:s11], [sflag:$0x1] =	stream.indirect.gather @!p0 [hbm4b:s3+s9], $0x40, s0, s9, $0xb8;
	[tilespmem:$0x14C00] =	vst v63  }
0x54: {  	s0 =	sadd.s32 @!p0 $0x3A0, s1;
	s9 =	simm.s32 @!p0 $0x48;
	s11 =	simm.s32 @!p0 $0x8400  }
0x55: {  	[tilespmem:s11], [sflag:$0x1] =	stream.indirect.gather @!p0 [hbm4b:s3+s9], $0x40, s0, s9, $0xb8;
	[tilespmem:$0x14C00] =	vst v63  }
0x56: {  	_ =	swait.ge [sflag:s23], $0x2000  }
0x57: {  	[sflag:s23] =	ssyncset.done $0x0  }
0x58: {  	[sflag:s23] =	ssyncadd.s32 $0xFFFFE000  }
0x59: {  	_ =	swait.ge [sflag:s23], $0x1200  }
0x5a: {  	[sflag:s23] =	ssyncset.done $0x0  }
0x5b: {  	s11 =	simm.s32 $0x96F0;
	[sflag:s23] =	ssyncadd.s32 $0xFFFFEE00  }
0x5c: {  	v0 =	vld [tilespmem:s11+$0xFFFFFFD0]  }
0x5d: {  	v1 =	vld [tilespmem:s11+$0xFFFFFFE0]  }
0x5e: {  	v2 =	vld [tilespmem:s11+$0xFFFFFF90]  }
0x5f: {  	v3 =	vld [tilespmem:s11+$0xFFFFFFA0]  }
0x60: {  	v9 =	vld [tilespmem:s11+$0xFFFFFF50]  }
0x61: {  	v12 =	vld [tilespmem:s11+$0xFFFFFF60]  }
0x62: {  	v5 =	vld [tilespmem:s11+$0xFFFFFF10]  }
0x63: {  	v7 =	vld [tilespmem:s11+$0xFFFFFF20]  }
0x64: {  	v10 =	vld [tilespmem:s11+$0xFFFFFF30]  }
0x65: {  	v13 =	vld [tilespmem:s11+$0xFFFFFF40]  }
0x66: {  	v6 =	vld [tilespmem:s11+$0xFFFFFF70]  }
0x67: {  	v8 =	vld [tilespmem:s11+$0xFFFFFF80]  }
0x68: {  	v14 =	vimm.f32 $0.0e+00;
	v4 =	vld [tilespmem:s11+$0xFFFFFFB0]  }
0x69: {  	v15 =	vadd.f32 v5, v14;
	v16 =	vadd.f32 v7, v14;
	v7 =	vld [tilespmem:s11+$0xFFFFFFC0]  }
0x6a: {  	v11 =	vadd.f32 v10, v14;
	v10 =	vadd.f32 v13, v14;
	v5 =	vld [tilespmem:s11+$0xFFFFFFF0]  }
0x6b: {  	s0 =	simm.s32 $0x0;
	s9 =	simm.s32 $0x97F0;
	v13 =	vadd.f32 v9, v15;
	v12 =	vadd.f32 v12, v16;
	v9 =	vld [tilespmem:s11+$0x0]  }
.LBB2_5:
0x6c: {  	v14 =	vld [tilespmem:s9+$0xFFFFFFD0];
	v6 =	vadd.f32 v6, v11;
	v8 =	vadd.f32 v8, v10  }
0x6d: {  	v10 =	vld [tilespmem:s9+$0xFFFFFFE0];
	v11 =	vadd.f32 v2, v13;
	v12 =	vadd.f32 v3, v12  }
0x6e: {  	v2 =	vld [tilespmem:s9+$0xFFFFFF90];
	v4 =	vadd.f32 v4, v6;
	v6 =	vadd.f32 v7, v8  }
0x6f: {  	v3 =	vld [tilespmem:s9+$0xFFFFFFA0];
	v7 =	vadd.f32 v0, v11;
	v11 =	vadd.f32 v1, v12  }
0x70: {  	v12 =	vld [tilespmem:s9+$0xFFFFFF50];
	v5 =	vadd.f32 v5, v4;
	v9 =	vadd.f32 v9, v6  }
0x71: {  	v15 =	vld [tilespmem:s9+$0xFFFFFF60];
	v0 =	vmov v14  }
0x72: {  	v13 =	vld [tilespmem:s9+$0xFFFFFF10];
	v1 =	vmov v10  }
0x73: {  	v10 =	vld [tilespmem:s9+$0xFFFFFF20]  }
0x74: {  	v14 =	vld [tilespmem:s9+$0xFFFFFF30]  }
0x75: {  	s0 =	sadd.s32 $0x4, s0;
	v16 =	vld [tilespmem:s9+$0xFFFFFF40]  }
0x76: {  	p1 =	slt.u32 s0, $0xC4;
	v6 =	vld [tilespmem:s9+$0xFFFFFF70]  }
.Ltmp1:
0x77: {  	v8 =	vld [tilespmem:s9+$0xFFFFFF80];
	(pc) =	sbr.rel @p1 .LBB2_5-.Ltmp1, $4  }
0x78: {  	v4 =	vld [tilespmem:s9+$0xFFFFFFB0]  }
0x79: {  	v13 =	vadd.f32 v13, v7;
	v17 =	vadd.f32 v10, v11;
	v7 =	vld [tilespmem:s9+$0xFFFFFFC0]  }
0x7a: {  	v11 =	vadd.f32 v14, v5;
	v10 =	vadd.f32 v16, v9;
	v5 =	vld [tilespmem:s9+$0xFFFFFFF0]  }
0x7b: {  	v13 =	vadd.f32 v12, v13;
	v12 =	vadd.f32 v15, v17;
	v9 =	vld [tilespmem:s9+$0x0];
	s9 =	sadd.s32 $0x100, s9  }
0x7c: {  	_ = 	snop  }
0x7d: {  	v6 =	vadd.f32 v6, v11;
	v2 =	vadd.f32 v2, v13  }
0x7e: {  	v8 =	vadd.f32 v8, v10;
	v3 =	vadd.f32 v3, v12  }
0x7f: {  	v4 =	vadd.f32 v4, v6;
	v0 =	vadd.f32 v0, v2  }
0x80: {  	v2 =	vadd.f32 v7, v8;
	v1 =	vadd.f32 v1, v3  }
0x81: {  	v3 =	vadd.f32 v5, v4;
	[tilespmem:s31+$0x12C40] =	vst v0  }
0x82: {  	v0 =	vadd.f32 v9, v2;
	[tilespmem:s31+$0x12C50] =	vst v1  }
0x83: {  	[tilespmem:s31+$0x12C60] =	vst v3  }
0x84: {  	s0 =	sadd.s32 @!p0 $0x3E8, s1;
	s9 =	simm.s32 @!p0 $0x80;
	s11 =	simm.s32 @!p0 $0x9600;
	[tilespmem:s31+$0x12C70] =	vst v0  }
0x85: {  	[tilespmem:s11], [sflag:$0x2] =	stream.indirect.gather @!p0 [hbm4b:s3+s9], $0x40, s0, s9, $0xb8;
	[tilespmem:$0x14C00] =	vst v63  }
0x86: {  	s0 =	sadd.s32 @!p0 $0x468, s1;
	s9 =	simm.s32 @!p0 $0x48;
	s11 =	simm.s32 @!p0 $0xB600  }
0x87: {  	[tilespmem:s11], [sflag:$0x2] =	stream.indirect.gather @!p0 [hbm4b:s3+s9], $0x40, s0, s9, $0xb8;
	[tilespmem:$0x14C00] =	vst v63  }
0x88: {  	_ =	swait.ge [sflag:s24], $0x2000  }
0x89: {  	[sflag:s24] =	ssyncset.done $0x0  }
0x8a: {  	[sflag:s24] =	ssyncadd.s32 $0xFFFFE000  }
0x8b: {  	_ =	swait.ge [sflag:s24], $0x1200  }
0x8c: {  	[sflag:s24] =	ssyncset.done $0x0  }
0x8d: {  	s11 =	simm.s32 $0xC800;
	[sflag:s24] =	ssyncadd.s32 $0xFFFFEE00  }
0x8e: {  	v0 =	vld [tilespmem:s11+$0xC0]  }
0x8f: {  	v1 =	vld [tilespmem:s11+$0xD0]  }
0x90: {  	v2 =	vld [tilespmem:s11+$0x80]  }
0x91: {  	v3 =	vld [tilespmem:s11+$0x90]  }
0x92: {  	v9 =	vld [tilespmem:s11+$0x40]  }
0x93: {  	v12 =	vld [tilespmem:s11+$0x50]  }
0x94: {  	v5 =	vld [tilespmem:s11+$0x0]  }
0x95: {  	v7 =	vld [tilespmem:s11+$0x10]  }
0x96: {  	v10 =	vld [tilespmem:s11+$0x20]  }
0x97: {  	v13 =	vld [tilespmem:s11+$0x30]  }
0x98: {  	v6 =	vld [tilespmem:s11+$0x60]  }
0x99: {  	v8 =	vld [tilespmem:s11+$0x70]  }
0x9a: {  	v14 =	vimm.f32 $0.0e+00;
	v4 =	vld [tilespmem:s11+$0xA0]  }
0x9b: {  	v15 =	vadd.f32 v5, v14;
	v16 =	vadd.f32 v7, v14;
	v7 =	vld [tilespmem:s11+$0xB0]  }
0x9c: {  	v11 =	vadd.f32 v10, v14;
	v10 =	vadd.f32 v13, v14;
	v5 =	vld [tilespmem:s11+$0xE0]  }
0x9d: {  	s0 =	simm.s32 $0x0;
	s9 =	simm.s32 $0xC900;
	v13 =	vadd.f32 v9, v15;
	v12 =	vadd.f32 v12, v16;
	v9 =	vld [tilespmem:s11+$0xF0]  }
.LBB2_7:
0x9e: {  	v14 =	vld [tilespmem:s9+$0xC0];
	v6 =	vadd.f32 v6, v11;
	v8 =	vadd.f32 v8, v10  }
0x9f: {  	v10 =	vld [tilespmem:s9+$0xD0];
	v11 =	vadd.f32 v2, v13;
	v12 =	vadd.f32 v3, v12  }
0xa0: {  	v2 =	vld [tilespmem:s9+$0x80];
	v4 =	vadd.f32 v4, v6;
	v6 =	vadd.f32 v7, v8  }
0xa1: {  	v3 =	vld [tilespmem:s9+$0x90];
	v7 =	vadd.f32 v0, v11;
	v11 =	vadd.f32 v1, v12  }
0xa2: {  	v12 =	vld [tilespmem:s9+$0x40];
	v5 =	vadd.f32 v5, v4;
	v9 =	vadd.f32 v9, v6  }
0xa3: {  	v15 =	vld [tilespmem:s9+$0x50];
	v0 =	vmov v14  }
0xa4: {  	v13 =	vld [tilespmem:s9+$0x0];
	v1 =	vmov v10  }
0xa5: {  	v10 =	vld [tilespmem:s9+$0x10]  }
0xa6: {  	v14 =	vld [tilespmem:s9+$0x20]  }
0xa7: {  	s0 =	sadd.s32 $0x4, s0;
	v16 =	vld [tilespmem:s9+$0x30]  }
0xa8: {  	p1 =	slt.u32 s0, $0xC4;
	v6 =	vld [tilespmem:s9+$0x60]  }
.Ltmp2:
0xa9: {  	v8 =	vld [tilespmem:s9+$0x70];
	(pc) =	sbr.rel @p1 .LBB2_7-.Ltmp2, $4  }
0xaa: {  	v4 =	vld [tilespmem:s9+$0xA0]  }
0xab: {  	v13 =	vadd.f32 v13, v7;
	v17 =	vadd.f32 v10, v11;
	v7 =	vld [tilespmem:s9+$0xB0]  }
0xac: {  	v11 =	vadd.f32 v14, v5;
	v10 =	vadd.f32 v16, v9;
	v5 =	vld [tilespmem:s9+$0xE0]  }
0xad: {  	v13 =	vadd.f32 v12, v13;
	v12 =	vadd.f32 v15, v17;
	v9 =	vld [tilespmem:s9+$0xF0];
	s9 =	sadd.s32 $0x100, s9  }
0xae: {  	_ = 	snop  }
0xaf: {  	v6 =	vadd.f32 v6, v11;
	v2 =	vadd.f32 v2, v13  }
0xb0: {  	v8 =	vadd.f32 v8, v10;
	v3 =	vadd.f32 v3, v12  }
0xb1: {  	v4 =	vadd.f32 v4, v6;
	v0 =	vadd.f32 v0, v2  }
0xb2: {  	v2 =	vadd.f32 v7, v8;
	v1 =	vadd.f32 v1, v3  }
0xb3: {  	v3 =	vadd.f32 v5, v4;
	[tilespmem:s31+$0x12C80] =	vst v0  }
0xb4: {  	v0 =	vadd.f32 v9, v2;
	[tilespmem:s31+$0x12C90] =	vst v1  }
0xb5: {  	[tilespmem:s31+$0x12CA0] =	vst v3  }
0xb6: {  	s0 =	sadd.s32 @!p0 $0x4B0, s1;
	s9 =	simm.s32 @!p0 $0x80;
	s11 =	simm.s32 @!p0 $0xC800;
	[tilespmem:s31+$0x12CB0] =	vst v0  }
0xb7: {  	[tilespmem:s11], [sflag:$0x3] =	stream.indirect.gather @!p0 [hbm4b:s3+s9], $0x40, s0, s9, $0xb8;
	[tilespmem:$0x14C00] =	vst v63  }
0xb8: {  	s0 =	sadd.s32 @!p0 $0x530, s1;
	s1 =	simm.s32 @!p0 $0x48;
	s9 =	simm.s32 @!p0 $0xE800  }
0xb9: {  	[tilespmem:s9], [sflag:$0x3] =	stream.indirect.gather @!p0 [hbm4b:s3+s1], $0x40, s0, s1, $0xb8;
	[tilespmem:$0x14C00] =	vst v63  }
0xba: {  	_ =	swait.ge [sflag:s25], $0x2000  }
0xbb: {  	[sflag:s25] =	ssyncset.done $0x0  }
0xbc: {  	[sflag:s25] =	ssyncadd.s32 $0xFFFFE000  }
0xbd: {  	_ =	swait.ge [sflag:s25], $0x1200  }
0xbe: {  	[sflag:s25] =	ssyncset.done $0x0  }
0xbf: {  	s31 =	simm.s32 $0xFA00;
	[sflag:s25] =	ssyncadd.s32 $0xFFFFEE00  }
0xc0: {  	v0 =	vld [tilespmem:s31+$0xC0]  }
0xc1: {  	v1 =	vld [tilespmem:s31+$0xD0]  }
0xc2: {  	v2 =	vld [tilespmem:s31+$0x80]  }
0xc3: {  	v3 =	vld [tilespmem:s31+$0x90]  }
0xc4: {  	v9 =	vld [tilespmem:s31+$0x40]  }
0xc5: {  	v12 =	vld [tilespmem:s31+$0x50]  }
0xc6: {  	v5 =	vld [tilespmem:s31+$0x0]  }
0xc7: {  	v6 =	vld [tilespmem:s31+$0x10]  }
0xc8: {  	v10 =	vld [tilespmem:s31+$0x20]  }
0xc9: {  	v13 =	vld [tilespmem:s31+$0x30]  }
0xca: {  	v7 =	vld [tilespmem:s31+$0x60]  }
0xcb: {  	v8 =	vld [tilespmem:s31+$0x70]  }
0xcc: {  	v14 =	vimm.f32 $0.0e+00;
	v4 =	vld [tilespmem:s31+$0xA0]  }
0xcd: {  	v15 =	vadd.f32 v5, v14;
	v16 =	vadd.f32 v6, v14;
	v6 =	vld [tilespmem:s31+$0xB0]  }
0xce: {  	v11 =	vadd.f32 v10, v14;
	v10 =	vadd.f32 v13, v14;
	v5 =	vld [tilespmem:s31+$0xE0]  }
0xcf: {  	s0 =	simm.s32 $0x0;
	s1 =	simm.s32 $0xFB00;
	v13 =	vadd.f32 v9, v15;
	v12 =	vadd.f32 v12, v16;
	v9 =	vld [tilespmem:s31+$0xF0]  }
.LBB2_9:
0xd0: {  	v14 =	vld [tilespmem:s1+$0xC0];
	v7 =	vadd.f32 v7, v11;
	v8 =	vadd.f32 v8, v10  }
0xd1: {  	v10 =	vld [tilespmem:s1+$0xD0];
	v11 =	vadd.f32 v2, v13;
	v12 =	vadd.f32 v3, v12  }
0xd2: {  	v2 =	vld [tilespmem:s1+$0x80];
	v4 =	vadd.f32 v4, v7;
	v6 =	vadd.f32 v6, v8  }
0xd3: {  	v3 =	vld [tilespmem:s1+$0x90];
	v11 =	vadd.f32 v0, v11;
	v12 =	vadd.f32 v1, v12  }
0xd4: {  	v13 =	vld [tilespmem:s1+$0x40];
	v5 =	vadd.f32 v5, v4;
	v9 =	vadd.f32 v9, v6  }
0xd5: {  	v15 =	vld [tilespmem:s1+$0x50];
	v0 =	vmov v14  }
0xd6: {  	v6 =	vld [tilespmem:s1+$0x0];
	v1 =	vmov v10  }
0xd7: {  	v10 =	vld [tilespmem:s1+$0x10]  }
0xd8: {  	v14 =	vld [tilespmem:s1+$0x20]  }
0xd9: {  	s0 =	sadd.s32 $0x4, s0;
	v16 =	vld [tilespmem:s1+$0x30]  }
0xda: {  	p0 =	slt.u32 s0, $0xC4;
	v7 =	vld [tilespmem:s1+$0x60]  }
.Ltmp3:
0xdb: {  	v8 =	vld [tilespmem:s1+$0x70];
	(pc) =	sbr.rel @p0 .LBB2_9-.Ltmp3, $4  }
0xdc: {  	v4 =	vld [tilespmem:s1+$0xA0]  }
0xdd: {  	v17 =	vadd.f32 v6, v11;
	v12 =	vadd.f32 v10, v12;
	v6 =	vld [tilespmem:s1+$0xB0]  }
0xde: {  	v11 =	vadd.f32 v14, v5;
	v10 =	vadd.f32 v16, v9;
	v5 =	vld [tilespmem:s1+$0xE0]  }
0xdf: {  	v13 =	vadd.f32 v13, v17;
	v12 =	vadd.f32 v15, v12;
	v9 =	vld [tilespmem:s1+$0xF0];
	s1 =	sadd.s32 $0x100, s1  }
0xe0: {  	_ = 	snop  }
0xe1: {  	v7 =	vadd.f32 v7, v11;
	v2 =	vadd.f32 v2, v13  }
0xe2: {  	v8 =	vadd.f32 v8, v10;
	s29 =	sadd.s32 $0x1, s29;
	v3 =	vadd.f32 v3, v12  }
0xe3: {  	s0 =	sshll.u32 s30, $0x6;
	p0 =	sne.s32 s29, $0x20;
	v4 =	vadd.f32 v4, v7;
	v0 =	vadd.f32 v0, v2  }
.Ltmp4:
0xe4: {  	s0 =	sand.u32 $0x3FFFFFC0, s0;
	v61 =	vadd.f32 v6, v8;
	v1 =	vadd.f32 v1, v3;
	(pc) =	sbr.rel @p0 .LBB2_2-.Ltmp4, $4  }
0xe5: {  	v62 =	vadd.f32 v5, v4;
	[tilespmem:s0+$0x12C00] =	vst v0  }
0xe6: {  	v63 =	vadd.f32 v9, v61;
	[tilespmem:s0+$0x12C10] =	vst v1  }
0xe7: {  	[tilespmem:s0+$0x12C20] =	vst v62  }
0xe8: {  	[tilespmem:s0+$0x12C30] =	vst v63  }
0xe9: {  	s28 =	sadd.s32 $0x1, s28  }
0xea: {  	p0 =	sne.s32 s28, s6  }
.Ltmp5:
0xeb: {  	_ = 	snop;
	(pc) =	sbr.rel @p0 .LBB2_1-.Ltmp5, $4  }
0xec: {  	[hbm4b:s5+s2] =	stream.linear.scatter [tilespmem:s26], [sflag:$0x5], $0x2000, $0x38;
	[tilespmem:$0x14C00] =	vst v63  }
0xed: {  	_ =	swait.ge [sflag:s7], $0x2000  }
0xee: {  	[sflag:s7] =	ssyncset.done $0x0  }
0xef: {  	[sflag:s7] =	ssyncadd.s32 $0xFFFFE000  }
0xf0: {  	_ =	sfence.sel $0x180000  }
0xf1: {  	[bflag:$0x0] =	sbarrier.arrive $0xFFFF  }
0xf2: {  	_ =	strace $0x90000047  }
0xf3: {  	s0 =	stileid.u32;
	[bflag:$0x2] =	sbarrier.arrive $0xFFFF  }
0xf4: {  	p0 =	sne.s32 s0, $0x0;
	s0 =	rddreg [dreg:$0x2]  }
0xf5: {  	s0 =	sadd.s32 @!p0 $0x100000, s0  }
0xf6: {  	[sflag:s0] =	ssyncadd.tile.s32 @!p0 $0x1;
	_ =	shalt  }
.Lfunc_end2:
_tile_overlayer_lowered:
.L_overlay_start_2:
0xf7: {  	(tag) =	ssettag $0x2  }
0xf8: {  	s0 =	rddreg [dreg:$0x0];
	s2 =	stileid.u32  }
0xf9: {  	s1 =	rddreg [dreg:$0x1];
	p0 =	sne.s32 s2, $0x0  }
0xfa: {  	s3 =	rddreg [dreg:$0x2];
	[bflag:$0x3] =	sbarrier.arrive $0xFFFF;
	s2 =	simm.s32 @!p0 $0x1C05  }
0xfb: {  	[timem:s3], [sflag:s2] =	dma.local @!p0 [hbm:s0], s1  }
0xfc: {  	s0 =	simm.s32 @!p0 $0x5  }
0xfd: {  	_ =	swait.ge @!p0 [sflag:s0], s1  }
0xfe: {  	s1 =	ssub.s32 @!p0 $0x0, s1;
	[sflag:s0] =	ssyncset.done @!p0 $0x0  }
0xff: {  	[sflag:s0] =	ssyncadd.s32 @!p0 s1  }
0x100: {  	[bflag:$0x3] =	sbarrier.arrive $0xFFFF  }
0x101: {  	_ =	shalt  }

</sc_bundles>
